<compile_context>
chip_gen: v7x
topology: tpu7x:2x2x1
jax: 0.10.2.dev20260603
libtpu: 0.0.44.dev20260713+nightly
codegen_flags: <defaults>
</compile_context>

<pallas_src>
import functools

import jax
import jax.numpy as jnp
from jax import lax
from jax.experimental import pallas as pl
from jax.experimental.pallas import tpu as pltpu
from jax.experimental.pallas import tpu_sc as plsc

_LANES = 16
_NUM_WORKERS = 32
_RB = 8
_NBUF = 2


def _body(n_rows, in_cols, out_cols, s,
          arr_hbm, out_hbm, inb0, inb1, outb0, outb1, si0, si1, so0, so1):
    c = lax.axis_index("c")
    sub = lax.axis_index("s")
    wid = sub * 2 + c
    rows_per_w = n_rows // _NUM_WORKERS
    base_row = wid * rows_per_w
    n_batches = rows_per_w // _RB
    inbs = (inb0, inb1)
    outbs = (outb0, outb1)
    in_sems = (si0, si1)
    out_sems = (so0, so1)
    iota = lax.iota(jnp.int32, _LANES)
    row_idx = [iota * 0 + r for r in range(_RB)]
    g_per_seg = s // _LANES

    def in_cp(i, slot):
        row = base_row + i * _RB
        return pltpu.make_async_copy(
            arr_hbm.at[pl.ds(row, _RB)], inbs[slot], in_sems[slot])

    def out_cp(i, slot):
        row = base_row + i * _RB
        return pltpu.make_async_copy(
            outbs[slot], out_hbm.at[pl.ds(row, _RB)], out_sems[slot])

    def compact(slot):
        src = inbs[slot]
        dst = outbs[slot]

        @plsc.parallel_loop(0, out_cols // _LANES, unroll=8)
        def _(g):
            col = iota + (_LANES * g + g // g_per_seg + 1)
            for r in range(_RB):
                x = plsc.load_gather(src, [row_idx[r], col])
                dst[r, pl.ds(_LANES * g, _LANES)] = x

    for slot in range(_NBUF):
        in_cp(slot, slot).start()

    def step(k, carry):
        for slot in range(_NBUF):
            i = _NBUF * k + slot
            in_cp(i, slot).wait()

            @pl.when(k >= 1)
            def _():
                out_cp(i - _NBUF, slot).wait()

            compact(slot)
            out_cp(i, slot).start()

            @pl.when(k <= n_batches // _NBUF - 2)
            def _():
                in_cp(i + _NBUF, slot).start()
        return carry

    lax.fori_loop(0, n_batches // _NBUF, step, 0)

    for slot in range(_NBUF):
        out_cp(n_batches - _NBUF + slot, slot).wait()


def kernel(arr, S):
    del S
    n_rows, in_cols = arr.shape
    s = int(round(in_cols ** 0.5))
    out_cols = s * (s - 1)
    assert s % _LANES == 0
    assert n_rows % (_NUM_WORKERS * _RB * _NBUF) == 0

    mesh = plsc.VectorSubcoreMesh(core_axis_name="c", subcore_axis_name="s")
    f = pl.kernel(
        functools.partial(_body, n_rows, in_cols, out_cols, s),
        out_type=jax.ShapeDtypeStruct((n_rows, out_cols), jnp.float32),
        mesh=mesh,
        scratch_types=[
            pltpu.VMEM((_RB, in_cols), jnp.float32),
            pltpu.VMEM((_RB, in_cols), jnp.float32),
            pltpu.VMEM((_RB, out_cols), jnp.float32),
            pltpu.VMEM((_RB, out_cols), jnp.float32),
            pltpu.SemaphoreType.DMA,
            pltpu.SemaphoreType.DMA,
            pltpu.SemaphoreType.DMA,
            pltpu.SemaphoreType.DMA,
        ],
        compiler_params=pltpu.CompilerParams(needs_layout_passes=False,
                                             use_tc_tiling_on_sc=True),
    )
    return f(arr)

# --- scband reference (transcript-rebuilt; emitter-appended) ---
"""Pipeline reference for scband-reduction-9388798509393 (READ-ONLY COPY).

The authoritative reference and input builder live on the scoring server;
editing this copy changes nothing except your own understanding.
"""

import jax, jax.numpy as jnp
import numpy as np


def setup_inputs(seed: int = 0) -> dict:
    key = jax.random.key(seed)
    S = 64
    arr = jax.random.normal(key, (4096, S * S), dtype=jnp.float32)
    return {"arr": arr, "S": S}


def reference(arr, S):
    # Static grid size recovered from arr's static shape (arr has S*S columns).
    S_static = int(round(np.sqrt(arr.shape[1])))
    # Diagonal entries of the flattened S x S eye sit at indices divisible by
    # S + 1, so the off-diagonal mask is expressible from the traced S with a
    # statically shaped index range.
    flat = jnp.arange(S_static * S_static, dtype=jnp.int32)
    mask = (flat % (S + 1)) != 0
    # boolean_mask along axis=1 == gather of the kept (off-diagonal) columns;
    # the kept count S*(S-1) is statically known, so nonzero is fixed-size.
    idx = jnp.nonzero(mask, size=S_static * (S_static - 1))[0].astype(jnp.int32)
    out = jnp.take(arr, idx, axis=1)
    out = jnp.reshape(out, (arr.shape[0], S_static * (S_static - 1)))
    return out

if __name__ == "__main__":
    import jax
    _d = setup_inputs()
    print(jax.jit(kernel)(*tuple(_d.values())))

</pallas_src>

<mosaic_0001>
#map = affine_map<(d0, d1) -> (0, 0)>
module attributes {stable_mosaic.version = 14 : i64} {
  func.func @_body(%arg0: i32, %arg1: i32, %arg2: memref<4096x4096xf32, #tpu.memory_space<hbm>>, %arg3: memref<4096x4032xf32, #tpu.memory_space<hbm>>, %arg4: memref<8x4096xf32, #tpu.memory_space<vmem>>, %arg5: memref<8x4096xf32, #tpu.memory_space<vmem>>, %arg6: memref<8x4032xf32, #tpu.memory_space<vmem>>, %arg7: memref<8x4032xf32, #tpu.memory_space<vmem>>, %arg8: memref<!tpu.dma_semaphore, #tpu.memory_space<semaphore_mem>>, %arg9: memref<!tpu.dma_semaphore, #tpu.memory_space<semaphore_mem>>, %arg10: memref<!tpu.dma_semaphore, #tpu.memory_space<semaphore_mem>>, %arg11: memref<!tpu.dma_semaphore, #tpu.memory_space<semaphore_mem>>) attributes {dimension_semantics = [#tpu.dimension_semantics<core_parallel>, #tpu.dimension_semantics<subcore_parallel>], iteration_bounds = array<i64: 2, 16>, scalar_prefetch = 0 : i64, scratch_operands = 8 : i64, tpu.core_type = #tpu.core_type<sc_vector_subcore>, window_params = [{transform_indices = #map}, {transform_indices = #map}]} {
    %mul3A = arith.constant 2 : i32
    %mul3A_0 = arith.muli %arg1, %mul3A : i32
    %add3A = arith.addi %mul3A_0, %arg0 : i32
    %mul3A_1 = arith.constant 128 : i32
    %mul3A_2 = arith.muli %add3A, %mul3A_1 : i32
    %iota3A = tpu.iota {dimensions = array<i32: 0>} : vector<16xi32>
    %mul3A_3 = arith.constant 0 : i32
    %mul3A_4 = vector.broadcast %mul3A_3 : i32 to vector<16xi32>
    %mul3A_5 = arith.muli %iota3A, %mul3A_4 : vector<16xi32>
    %add3A_6 = arith.constant 0 : i32
    %add3A_7 = vector.broadcast %add3A_6 : i32 to vector<16xi32>
    %add3A_8 = arith.addi %mul3A_5, %add3A_7 : vector<16xi32>
    %mul3A_9 = arith.constant 0 : i32
    %mul3A_10 = vector.broadcast %mul3A_9 : i32 to vector<16xi32>
    %mul3A_11 = arith.muli %iota3A, %mul3A_10 : vector<16xi32>
    %add3A_12 = arith.constant 1 : i32
    %add3A_13 = vector.broadcast %add3A_12 : i32 to vector<16xi32>
    %add3A_14 = arith.addi %mul3A_11, %add3A_13 : vector<16xi32>
    %mul3A_15 = arith.constant 0 : i32
    %mul3A_16 = vector.broadcast %mul3A_15 : i32 to vector<16xi32>
    %mul3A_17 = arith.muli %iota3A, %mul3A_16 : vector<16xi32>
    %add3A_18 = arith.constant 2 : i32
    %add3A_19 = vector.broadcast %add3A_18 : i32 to vector<16xi32>
    %add3A_20 = arith.addi %mul3A_17, %add3A_19 : vector<16xi32>
    %mul3A_21 = arith.constant 0 : i32
    %mul3A_22 = vector.broadcast %mul3A_21 : i32 to vector<16xi32>
    %mul3A_23 = arith.muli %iota3A, %mul3A_22 : vector<16xi32>
    %add3A_24 = arith.constant 3 : i32
    %add3A_25 = vector.broadcast %add3A_24 : i32 to vector<16xi32>
    %add3A_26 = arith.addi %mul3A_23, %add3A_25 : vector<16xi32>
    %mul3A_27 = arith.constant 0 : i32
    %mul3A_28 = vector.broadcast %mul3A_27 : i32 to vector<16xi32>
    %mul3A_29 = arith.muli %iota3A, %mul3A_28 : vector<16xi32>
    %add3A_30 = arith.constant 4 : i32
    %add3A_31 = vector.broadcast %add3A_30 : i32 to vector<16xi32>
    %add3A_32 = arith.addi %mul3A_29, %add3A_31 : vector<16xi32>
    %mul3A_33 = arith.constant 0 : i32
    %mul3A_34 = vector.broadcast %mul3A_33 : i32 to vector<16xi32>
    %mul3A_35 = arith.muli %iota3A, %mul3A_34 : vector<16xi32>
    %add3A_36 = arith.constant 5 : i32
    %add3A_37 = vector.broadcast %add3A_36 : i32 to vector<16xi32>
    %add3A_38 = arith.addi %mul3A_35, %add3A_37 : vector<16xi32>
    %mul3A_39 = arith.constant 0 : i32
    %mul3A_40 = vector.broadcast %mul3A_39 : i32 to vector<16xi32>
    %mul3A_41 = arith.muli %iota3A, %mul3A_40 : vector<16xi32>
    %add3A_42 = arith.constant 6 : i32
    %add3A_43 = vector.broadcast %add3A_42 : i32 to vector<16xi32>
    %add3A_44 = arith.addi %mul3A_41, %add3A_43 : vector<16xi32>
    %mul3A_45 = arith.constant 0 : i32
    %mul3A_46 = vector.broadcast %mul3A_45 : i32 to vector<16xi32>
    %mul3A_47 = arith.muli %iota3A, %mul3A_46 : vector<16xi32>
    %add3A_48 = arith.constant 7 : i32
    %add3A_49 = vector.broadcast %add3A_48 : i32 to vector<16xi32>
    %add3A_50 = arith.addi %mul3A_47, %add3A_49 : vector<16xi32>
    %add3A_51 = arith.constant 0 : i32
    %add3A_52 = arith.addi %mul3A_2, %add3A_51 : i32
    %dma_start3A = arith.constant 0 : i32
    %dma_start3A_53 = tpu.memref_slice %arg2[%add3A_52, %dma_start3A] : memref<4096x4096xf32, #tpu.memory_space<hbm>> -> memref<8x4096xf32, #tpu.memory_space<hbm>>
    %dma_start3A_54 = arith.constant 0 : i32
    %dma_start3A_55 = tpu.memref_slice %arg2[%add3A_52, %dma_start3A_54] : memref<4096x4096xf32, #tpu.memory_space<hbm>> -> memref<8x4096xf32, #tpu.memory_space<hbm>>
    tpu.enqueue_dma source(%dma_start3A_55 : memref<8x4096xf32, #tpu.memory_space<hbm>>) target(%arg4 : memref<8x4096xf32, #tpu.memory_space<vmem>>) target_semaphore(%arg8 : memref<!tpu.dma_semaphore, #tpu.memory_space<semaphore_mem>>)
    %add3A_56 = arith.constant 8 : i32
    %add3A_57 = arith.addi %mul3A_2, %add3A_56 : i32
    %dma_start3A_58 = arith.constant 0 : i32
    %dma_start3A_59 = tpu.memref_slice %arg2[%add3A_57, %dma_start3A_58] : memref<4096x4096xf32, #tpu.memory_space<hbm>> -> memref<8x4096xf32, #tpu.memory_space<hbm>>
    %dma_start3A_60 = arith.constant 0 : i32
    %dma_start3A_61 = tpu.memref_slice %arg2[%add3A_57, %dma_start3A_60] : memref<4096x4096xf32, #tpu.memory_space<hbm>> -> memref<8x4096xf32, #tpu.memory_space<hbm>>
    tpu.enqueue_dma source(%dma_start3A_61 : memref<8x4096xf32, #tpu.memory_space<hbm>>) target(%arg5 : memref<8x4096xf32, #tpu.memory_space<vmem>>) target_semaphore(%arg9 : memref<!tpu.dma_semaphore, #tpu.memory_space<semaphore_mem>>)
    %scan3A = arith.constant 0 : i32
    %scan3A_62 = arith.constant 0 : i32
    %scan3A_63 = arith.constant 8 : i32
    %scan3A_64 = arith.addi %scan3A_62, %scan3A_63 : i32
    %scan3A_65 = arith.constant 1 : i32
    scf.for %scan3A_78 = %scan3A_62 to %scan3A_64 step %scan3A_65  : i32 {
      %mul3A_79 = arith.constant 2 : i32
      %mul3A_80 = arith.muli %mul3A_79, %scan3A_78 : i32
      %add3A_81 = arith.constant 0 : i32
      %add3A_82 = arith.addi %mul3A_80, %add3A_81 : i32
      %mul3A_83 = arith.constant 8 : i32
      %mul3A_84 = arith.muli %add3A_82, %mul3A_83 : i32
      %add3A_85 = arith.addi %mul3A_2, %mul3A_84 : i32
      %dma_wait3A_86 = arith.constant 0 : i32
      %dma_wait3A_87 = tpu.memref_slice %arg2[%add3A_85, %dma_wait3A_86] : memref<4096x4096xf32, #tpu.memory_space<hbm>> -> memref<8x4096xf32, #tpu.memory_space<hbm>>
      %dma_wait3A_88 = arith.constant 0 : i32
      %dma_wait3A_89 = tpu.memref_slice %arg2[%add3A_85, %dma_wait3A_88] : memref<4096x4096xf32, #tpu.memory_space<hbm>> -> memref<8x4096xf32, #tpu.memory_space<hbm>>
      tpu.wait_dma2 semaphore(%arg8 : memref<!tpu.dma_semaphore, #tpu.memory_space<semaphore_mem>>) src(%dma_wait3A_89 : memref<8x4096xf32, #tpu.memory_space<hbm>>) dst(%arg4 : memref<8x4096xf32, #tpu.memory_space<vmem>>)
      %ge3A = arith.constant 1 : i32
      %ge3A_90 = arith.cmpi sge, %scan3A_78, %ge3A : i32
      %convert_element_type3A = arith.extui %ge3A_90 : i1 to i32
      %cond3A = arith.constant 0 : i32
      %cond3A_91 = arith.cmpi ne, %convert_element_type3A, %cond3A : i32
      scf.if %cond3A_91 {
        %sub3A = arith.constant 2 : i32
        %sub3A_136 = arith.subi %add3A_82, %sub3A : i32
        %mul3A_137 = arith.constant 8 : i32
        %mul3A_138 = arith.muli %sub3A_136, %mul3A_137 : i32
        %add3A_139 = arith.addi %mul3A_2, %mul3A_138 : i32
        %dma_wait3A_140 = arith.constant 0 : i32
        %dma_wait3A_141 = tpu.memref_slice %arg3[%add3A_139, %dma_wait3A_140] : memref<4096x4032xf32, #tpu.memory_space<hbm>> -> memref<8x4032xf32, #tpu.memory_space<hbm>>
        %dma_wait3A_142 = arith.constant 0 : i32
        %dma_wait3A_143 = tpu.memref_slice %arg3[%add3A_139, %dma_wait3A_142] : memref<4096x4032xf32, #tpu.memory_space<hbm>> -> memref<8x4032xf32, #tpu.memory_space<hbm>>
        tpu.wait_dma2 semaphore(%arg10 : memref<!tpu.dma_semaphore, #tpu.memory_space<semaphore_mem>>) src(%arg6 : memref<8x4032xf32, #tpu.memory_space<vmem>>) dst(%dma_wait3A_143 : memref<8x4032xf32, #tpu.memory_space<hbm>>)
      } else {
      }
      %parallel_loop3A = arith.constant 0 : i32
      %parallel_loop3A_92 = arith.constant 252 : i32
      %parallel_loop3A_93 = arith.constant 1 : i32
      scf.for %parallel_loop3A_136 = %parallel_loop3A to %parallel_loop3A_92 step %parallel_loop3A_93  : i32 {
        %parallel_loop3A_137 = arith.constant 16 : i32
        %parallel_loop3A_138 = arith.muli %parallel_loop3A_137, %parallel_loop3A_136 : i32
        %parallel_loop3A_139 = arith.constant 4 : i32
        %parallel_loop3A_140 = arith.divsi %parallel_loop3A_136, %parallel_loop3A_139 : i32
        %parallel_loop3A_141 = arith.constant 0 : i32
        %parallel_loop3A_142 = arith.cmpi sgt, %parallel_loop3A_136, %parallel_loop3A_141 : i32
        %parallel_loop3A_143 = arith.extui %parallel_loop3A_142 : i1 to i32
        %parallel_loop3A_144 = arith.constant 0 : i32
        %parallel_loop3A_145 = arith.cmpi slt, %parallel_loop3A_136, %parallel_loop3A_144 : i32
        %parallel_loop3A_146 = arith.extui %parallel_loop3A_145 : i1 to i32
        %parallel_loop3A_147 = arith.subi %parallel_loop3A_143, %parallel_loop3A_146 : i32
        %parallel_loop3A_148 = arith.constant 0 : i32
        %parallel_loop3A_149 = arith.cmpi sgt, %parallel_loop3A_139, %parallel_loop3A_148 : i32
        %parallel_loop3A_150 = arith.extui %parallel_loop3A_149 : i1 to i32
        %parallel_loop3A_151 = arith.constant 0 : i32
        %parallel_loop3A_152 = arith.cmpi slt, %parallel_loop3A_139, %parallel_loop3A_151 : i32
        %parallel_loop3A_153 = arith.extui %parallel_loop3A_152 : i1 to i32
        %parallel_loop3A_154 = arith.subi %parallel_loop3A_150, %parallel_loop3A_153 : i32
        %parallel_loop3A_155 = arith.cmpi ne, %parallel_loop3A_147, %parallel_loop3A_154 : i32
        %parallel_loop3A_156 = arith.remsi %parallel_loop3A_136, %parallel_loop3A_139 : i32
        %parallel_loop3A_157 = arith.constant 0 : i32
        %parallel_loop3A_158 = arith.cmpi ne, %parallel_loop3A_156, %parallel_loop3A_157 : i32
        %parallel_loop3A_159 = arith.andi %parallel_loop3A_155, %parallel_loop3A_158 : i1
        %parallel_loop3A_160 = arith.constant 1 : i32
        %parallel_loop3A_161 = arith.subi %parallel_loop3A_140, %parallel_loop3A_160 : i32
        %parallel_loop3A_162 = arith.select %parallel_loop3A_159, %parallel_loop3A_161, %parallel_loop3A_140 : i32
        %parallel_loop3A_163 = arith.addi %parallel_loop3A_138, %parallel_loop3A_162 : i32
        %parallel_loop3A_164 = arith.constant 1 : i32
        %parallel_loop3A_165 = arith.addi %parallel_loop3A_163, %parallel_loop3A_164 : i32
        %parallel_loop3A_166 = vector.broadcast %parallel_loop3A_165 : i32 to vector<16xi32>
        %parallel_loop3A_167 = arith.addi %iota3A, %parallel_loop3A_166 : vector<16xi32>
        %parallel_loop3A_168 = tpu.vector_load_idx %arg4[%add3A_8, %parallel_loop3A_167] : memref<8x4096xf32, #tpu.memory_space<vmem>>[vector<16xi32>, vector<16xi32>], vector<16xf32>,
        %parallel_loop3A_169 = arith.constant 16 : i32
        %parallel_loop3A_170 = arith.muli %parallel_loop3A_169, %parallel_loop3A_136 : i32
        %parallel_loop3A_171 = arith.constant 0 : i32
        %parallel_loop3A_172 = arith.index_cast %parallel_loop3A_171 : i32 to index
        %parallel_loop3A_173 = arith.index_cast %parallel_loop3A_170 : i32 to index
        %parallel_loop3A_174 = tpu.vector_load %arg6[%parallel_loop3A_172, %parallel_loop3A_173] {strides = array<i32>} : memref<8x4032xf32, #tpu.memory_space<vmem>>, vector<16xf32>,
        tpu.vector_store %arg6[%parallel_loop3A_172, %parallel_loop3A_173], %parallel_loop3A_168 {strides = array<i32>} : memref<8x4032xf32, #tpu.memory_space<vmem>>, vector<16xf32>,
        %parallel_loop3A_175 = tpu.vector_load_idx %arg4[%add3A_14, %parallel_loop3A_167] : memref<8x4096xf32, #tpu.memory_space<vmem>>[vector<16xi32>, vector<16xi32>], vector<16xf32>,
        %parallel_loop3A_176 = arith.constant 16 : i32
        %parallel_loop3A_177 = arith.muli %parallel_loop3A_176, %parallel_loop3A_136 : i32
        %parallel_loop3A_178 = arith.constant 1 : i32
        %parallel_loop3A_179 = arith.index_cast %parallel_loop3A_178 : i32 to index
        %parallel_loop3A_180 = arith.index_cast %parallel_loop3A_177 : i32 to index
        %parallel_loop3A_181 = tpu.vector_load %arg6[%parallel_loop3A_179, %parallel_loop3A_180] {strides = array<i32>} : memref<8x4032xf32, #tpu.memory_space<vmem>>, vector<16xf32>,
        tpu.vector_store %arg6[%parallel_loop3A_179, %parallel_loop3A_180], %parallel_loop3A_175 {strides = array<i32>} : memref<8x4032xf32, #tpu.memory_space<vmem>>, vector<16xf32>,
        %parallel_loop3A_182 = tpu.vector_load_idx %arg4[%add3A_20, %parallel_loop3A_167] : memref<8x4096xf32, #tpu.memory_space<vmem>>[vector<16xi32>, vector<16xi32>], vector<16xf32>,
        %parallel_loop3A_183 = arith.constant 16 : i32
        %parallel_loop3A_184 = arith.muli %parallel_loop3A_183, %parallel_loop3A_136 : i32
        %parallel_loop3A_185 = arith.constant 2 : i32
        %parallel_loop3A_186 = arith.index_cast %parallel_loop3A_185 : i32 to index
        %parallel_loop3A_187 = arith.index_cast %parallel_loop3A_184 : i32 to index
        %parallel_loop3A_188 = tpu.vector_load %arg6[%parallel_loop3A_186, %parallel_loop3A_187] {strides = array<i32>} : memref<8x4032xf32, #tpu.memory_space<vmem>>, vector<16xf32>,
        tpu.vector_store %arg6[%parallel_loop3A_186, %parallel_loop3A_187], %parallel_loop3A_182 {strides = array<i32>} : memref<8x4032xf32, #tpu.memory_space<vmem>>, vector<16xf32>,
        %parallel_loop3A_189 = tpu.vector_load_idx %arg4[%add3A_26, %parallel_loop3A_167] : memref<8x4096xf32, #tpu.memory_space<vmem>>[vector<16xi32>, vector<16xi32>], vector<16xf32>,
        %parallel_loop3A_190 = arith.constant 16 : i32
        %parallel_loop3A_191 = arith.muli %parallel_loop3A_190, %parallel_loop3A_136 : i32
        %parallel_loop3A_192 = arith.constant 3 : i32
        %parallel_loop3A_193 = arith.index_cast %parallel_loop3A_192 : i32 to index
        %parallel_loop3A_194 = arith.index_cast %parallel_loop3A_191 : i32 to index
        %parallel_loop3A_195 = tpu.vector_load %arg6[%parallel_loop3A_193, %parallel_loop3A_194] {strides = array<i32>} : memref<8x4032xf32, #tpu.memory_space<vmem>>, vector<16xf32>,
        tpu.vector_store %arg6[%parallel_loop3A_193, %parallel_loop3A_194], %parallel_loop3A_189 {strides = array<i32>} : memref<8x4032xf32, #tpu.memory_space<vmem>>, vector<16xf32>,
        %parallel_loop3A_196 = tpu.vector_load_idx %arg4[%add3A_32, %parallel_loop3A_167] : memref<8x4096xf32, #tpu.memory_space<vmem>>[vector<16xi32>, vector<16xi32>], vector<16xf32>,
        %parallel_loop3A_197 = arith.constant 16 : i32
        %parallel_loop3A_198 = arith.muli %parallel_loop3A_197, %parallel_loop3A_136 : i32
        %parallel_loop3A_199 = arith.constant 4 : i32
        %parallel_loop3A_200 = arith.index_cast %parallel_loop3A_199 : i32 to index
        %parallel_loop3A_201 = arith.index_cast %parallel_loop3A_198 : i32 to index
        %parallel_loop3A_202 = tpu.vector_load %arg6[%parallel_loop3A_200, %parallel_loop3A_201] {strides = array<i32>} : memref<8x4032xf32, #tpu.memory_space<vmem>>, vector<16xf32>,
        tpu.vector_store %arg6[%parallel_loop3A_200, %parallel_loop3A_201], %parallel_loop3A_196 {strides = array<i32>} : memref<8x4032xf32, #tpu.memory_space<vmem>>, vector<16xf32>,
        %parallel_loop3A_203 = tpu.vector_load_idx %arg4[%add3A_38, %parallel_loop3A_167] : memref<8x4096xf32, #tpu.memory_space<vmem>>[vector<16xi32>, vector<16xi32>], vector<16xf32>,
        %parallel_loop3A_204 = arith.constant 16 : i32
        %parallel_loop3A_205 = arith.muli %parallel_loop3A_204, %parallel_loop3A_136 : i32
        %parallel_loop3A_206 = arith.constant 5 : i32
        %parallel_loop3A_207 = arith.index_cast %parallel_loop3A_206 : i32 to index
        %parallel_loop3A_208 = arith.index_cast %parallel_loop3A_205 : i32 to index
        %parallel_loop3A_209 = tpu.vector_load %arg6[%parallel_loop3A_207, %parallel_loop3A_208] {strides = array<i32>} : memref<8x4032xf32, #tpu.memory_space<vmem>>, vector<16xf32>,
        tpu.vector_store %arg6[%parallel_loop3A_207, %parallel_loop3A_208], %parallel_loop3A_203 {strides = array<i32>} : memref<8x4032xf32, #tpu.memory_space<vmem>>, vector<16xf32>,
        %parallel_loop3A_210 = tpu.vector_load_idx %arg4[%add3A_44, %parallel_loop3A_167] : memref<8x4096xf32, #tpu.memory_space<vmem>>[vector<16xi32>, vector<16xi32>], vector<16xf32>,
        %parallel_loop3A_211 = arith.constant 16 : i32
        %parallel_loop3A_212 = arith.muli %parallel_loop3A_211, %parallel_loop3A_136 : i32
        %parallel_loop3A_213 = arith.constant 6 : i32
        %parallel_loop3A_214 = arith.index_cast %parallel_loop3A_213 : i32 to index
        %parallel_loop3A_215 = arith.index_cast %parallel_loop3A_212 : i32 to index
        %parallel_loop3A_216 = tpu.vector_load %arg6[%parallel_loop3A_214, %parallel_loop3A_215] {strides = array<i32>} : memref<8x4032xf32, #tpu.memory_space<vmem>>, vector<16xf32>,
        tpu.vector_store %arg6[%parallel_loop3A_214, %parallel_loop3A_215], %parallel_loop3A_210 {strides = array<i32>} : memref<8x4032xf32, #tpu.memory_space<vmem>>, vector<16xf32>,
        %parallel_loop3A_217 = tpu.vector_load_idx %arg4[%add3A_50, %parallel_loop3A_167] : memref<8x4096xf32, #tpu.memory_space<vmem>>[vector<16xi32>, vector<16xi32>], vector<16xf32>,
        %parallel_loop3A_218 = arith.constant 16 : i32
        %parallel_loop3A_219 = arith.muli %parallel_loop3A_218, %parallel_loop3A_136 : i32
        %parallel_loop3A_220 = arith.constant 7 : i32
        %parallel_loop3A_221 = arith.index_cast %parallel_loop3A_220 : i32 to index
        %parallel_loop3A_222 = arith.index_cast %parallel_loop3A_219 : i32 to index
        %parallel_loop3A_223 = tpu.vector_load %arg6[%parallel_loop3A_221, %parallel_loop3A_222] {strides = array<i32>} : memref<8x4032xf32, #tpu.memory_space<vmem>>, vector<16xf32>,
        tpu.vector_store %arg6[%parallel_loop3A_221, %parallel_loop3A_222], %parallel_loop3A_217 {strides = array<i32>} : memref<8x4032xf32, #tpu.memory_space<vmem>>, vector<16xf32>,
      } {sc.loop_unroll_factor = 8 : i64, sc.parallel_access}
      %mul3A_94 = arith.constant 8 : i32
      %mul3A_95 = arith.muli %add3A_82, %mul3A_94 : i32
      %add3A_96 = arith.addi %mul3A_2, %mul3A_95 : i32
      %dma_start3A_97 = arith.constant 0 : i32
      %dma_start3A_98 = tpu.memref_slice %arg3[%add3A_96, %dma_start3A_97] : memref<4096x4032xf32, #tpu.memory_space<hbm>> -> memref<8x4032xf32, #tpu.memory_space<hbm>>
      %dma_start3A_99 = arith.constant 0 : i32
      %dma_start3A_100 = tpu.memref_slice %arg3[%add3A_96, %dma_start3A_99] : memref<4096x4032xf32, #tpu.memory_space<hbm>> -> memref<8x4032xf32, #tpu.memory_space<hbm>>
      tpu.enqueue_dma source(%arg6 : memref<8x4032xf32, #tpu.memory_space<vmem>>) target(%dma_start3A_100 : memref<8x4032xf32, #tpu.memory_space<hbm>>) target_semaphore(%arg10 : memref<!tpu.dma_semaphore, #tpu.memory_space<semaphore_mem>>)
      %le3A = arith.constant 6 : i32
      %le3A_101 = arith.cmpi sle, %scan3A_78, %le3A : i32
      %convert_element_type3A_102 = arith.extui %le3A_101 : i1 to i32
      %cond3A_103 = arith.constant 0 : i32
      %cond3A_104 = arith.cmpi ne, %convert_element_type3A_102, %cond3A_103 : i32
      scf.if %cond3A_104 {
        %add3A_136 = arith.constant 2 : i32
        %add3A_137 = arith.addi %add3A_82, %add3A_136 : i32
        %mul3A_138 = arith.constant 8 : i32
        %mul3A_139 = arith.muli %add3A_137, %mul3A_138 : i32
        %add3A_140 = arith.addi %mul3A_2, %mul3A_139 : i32
        %dma_start3A_141 = arith.constant 0 : i32
        %dma_start3A_142 = tpu.memref_slice %arg2[%add3A_140, %dma_start3A_141] : memref<4096x4096xf32, #tpu.memory_space<hbm>> -> memref<8x4096xf32, #tpu.memory_space<hbm>>
        %dma_start3A_143 = arith.constant 0 : i32
        %dma_start3A_144 = tpu.memref_slice %arg2[%add3A_140, %dma_start3A_143] : memref<4096x4096xf32, #tpu.memory_space<hbm>> -> memref<8x4096xf32, #tpu.memory_space<hbm>>
        tpu.enqueue_dma source(%dma_start3A_144 : memref<8x4096xf32, #tpu.memory_space<hbm>>) target(%arg4 : memref<8x4096xf32, #tpu.memory_space<vmem>>) target_semaphore(%arg8 : memref<!tpu.dma_semaphore, #tpu.memory_space<semaphore_mem>>)
      } else {
      }
      %mul3A_105 = arith.constant 2 : i32
      %mul3A_106 = arith.muli %mul3A_105, %scan3A_78 : i32
      %add3A_107 = arith.constant 1 : i32
      %add3A_108 = arith.addi %mul3A_106, %add3A_107 : i32
      %mul3A_109 = arith.constant 8 : i32
      %mul3A_110 = arith.muli %add3A_108, %mul3A_109 : i32
      %add3A_111 = arith.addi %mul3A_2, %mul3A_110 : i32
      %dma_wait3A_112 = arith.constant 0 : i32
      %dma_wait3A_113 = tpu.memref_slice %arg2[%add3A_111, %dma_wait3A_112] : memref<4096x4096xf32, #tpu.memory_space<hbm>> -> memref<8x4096xf32, #tpu.memory_space<hbm>>
      %dma_wait3A_114 = arith.constant 0 : i32
      %dma_wait3A_115 = tpu.memref_slice %arg2[%add3A_111, %dma_wait3A_114] : memref<4096x4096xf32, #tpu.memory_space<hbm>> -> memref<8x4096xf32, #tpu.memory_space<hbm>>
      tpu.wait_dma2 semaphore(%arg9 : memref<!tpu.dma_semaphore, #tpu.memory_space<semaphore_mem>>) src(%dma_wait3A_115 : memref<8x4096xf32, #tpu.memory_space<hbm>>) dst(%arg5 : memref<8x4096xf32, #tpu.memory_space<vmem>>)
      %ge3A_116 = arith.constant 1 : i32
      %ge3A_117 = arith.cmpi sge, %scan3A_78, %ge3A_116 : i32
      %convert_element_type3A_118 = arith.extui %ge3A_117 : i1 to i32
      %cond3A_119 = arith.constant 0 : i32
      %cond3A_120 = arith.cmpi ne, %convert_element_type3A_118, %cond3A_119 : i32
      scf.if %cond3A_120 {
        %sub3A = arith.constant 2 : i32
        %sub3A_136 = arith.subi %add3A_108, %sub3A : i32
        %mul3A_137 = arith.constant 8 : i32
        %mul3A_138 = arith.muli %sub3A_136, %mul3A_137 : i32
        %add3A_139 = arith.addi %mul3A_2, %mul3A_138 : i32
        %dma_wait3A_140 = arith.constant 0 : i32
        %dma_wait3A_141 = tpu.memref_slice %arg3[%add3A_139, %dma_wait3A_140] : memref<4096x4032xf32, #tpu.memory_space<hbm>> -> memref<8x4032xf32, #tpu.memory_space<hbm>>
        %dma_wait3A_142 = arith.constant 0 : i32
        %dma_wait3A_143 = tpu.memref_slice %arg3[%add3A_139, %dma_wait3A_142] : memref<4096x4032xf32, #tpu.memory_space<hbm>> -> memref<8x4032xf32, #tpu.memory_space<hbm>>
        tpu.wait_dma2 semaphore(%arg11 : memref<!tpu.dma_semaphore, #tpu.memory_space<semaphore_mem>>) src(%arg7 : memref<8x4032xf32, #tpu.memory_space<vmem>>) dst(%dma_wait3A_143 : memref<8x4032xf32, #tpu.memory_space<hbm>>)
      } else {
      }
      %parallel_loop3A_121 = arith.constant 0 : i32
      %parallel_loop3A_122 = arith.constant 252 : i32
      %parallel_loop3A_123 = arith.constant 1 : i32
      scf.for %parallel_loop3A_136 = %parallel_loop3A_121 to %parallel_loop3A_122 step %parallel_loop3A_123  : i32 {
        %parallel_loop3A_137 = arith.constant 16 : i32
        %parallel_loop3A_138 = arith.muli %parallel_loop3A_137, %parallel_loop3A_136 : i32
        %parallel_loop3A_139 = arith.constant 4 : i32
        %parallel_loop3A_140 = arith.divsi %parallel_loop3A_136, %parallel_loop3A_139 : i32
        %parallel_loop3A_141 = arith.constant 0 : i32
        %parallel_loop3A_142 = arith.cmpi sgt, %parallel_loop3A_136, %parallel_loop3A_141 : i32
        %parallel_loop3A_143 = arith.extui %parallel_loop3A_142 : i1 to i32
        %parallel_loop3A_144 = arith.constant 0 : i32
        %parallel_loop3A_145 = arith.cmpi slt, %parallel_loop3A_136, %parallel_loop3A_144 : i32
        %parallel_loop3A_146 = arith.extui %parallel_loop3A_145 : i1 to i32
        %parallel_loop3A_147 = arith.subi %parallel_loop3A_143, %parallel_loop3A_146 : i32
        %parallel_loop3A_148 = arith.constant 0 : i32
        %parallel_loop3A_149 = arith.cmpi sgt, %parallel_loop3A_139, %parallel_loop3A_148 : i32
        %parallel_loop3A_150 = arith.extui %parallel_loop3A_149 : i1 to i32
        %parallel_loop3A_151 = arith.constant 0 : i32
        %parallel_loop3A_152 = arith.cmpi slt, %parallel_loop3A_139, %parallel_loop3A_151 : i32
        %parallel_loop3A_153 = arith.extui %parallel_loop3A_152 : i1 to i32
        %parallel_loop3A_154 = arith.subi %parallel_loop3A_150, %parallel_loop3A_153 : i32
        %parallel_loop3A_155 = arith.cmpi ne, %parallel_loop3A_147, %parallel_loop3A_154 : i32
        %parallel_loop3A_156 = arith.remsi %parallel_loop3A_136, %parallel_loop3A_139 : i32
        %parallel_loop3A_157 = arith.constant 0 : i32
        %parallel_loop3A_158 = arith.cmpi ne, %parallel_loop3A_156, %parallel_loop3A_157 : i32
        %parallel_loop3A_159 = arith.andi %parallel_loop3A_155, %parallel_loop3A_158 : i1
        %parallel_loop3A_160 = arith.constant 1 : i32
        %parallel_loop3A_161 = arith.subi %parallel_loop3A_140, %parallel_loop3A_160 : i32
        %parallel_loop3A_162 = arith.select %parallel_loop3A_159, %parallel_loop3A_161, %parallel_loop3A_140 : i32
        %parallel_loop3A_163 = arith.addi %parallel_loop3A_138, %parallel_loop3A_162 : i32
        %parallel_loop3A_164 = arith.constant 1 : i32
        %parallel_loop3A_165 = arith.addi %parallel_loop3A_163, %parallel_loop3A_164 : i32
        %parallel_loop3A_166 = vector.broadcast %parallel_loop3A_165 : i32 to vector<16xi32>
        %parallel_loop3A_167 = arith.addi %iota3A, %parallel_loop3A_166 : vector<16xi32>
        %parallel_loop3A_168 = tpu.vector_load_idx %arg5[%add3A_8, %parallel_loop3A_167] : memref<8x4096xf32, #tpu.memory_space<vmem>>[vector<16xi32>, vector<16xi32>], vector<16xf32>,
        %parallel_loop3A_169 = arith.constant 16 : i32
        %parallel_loop3A_170 = arith.muli %parallel_loop3A_169, %parallel_loop3A_136 : i32
        %parallel_loop3A_171 = arith.constant 0 : i32
        %parallel_loop3A_172 = arith.index_cast %parallel_loop3A_171 : i32 to index
        %parallel_loop3A_173 = arith.index_cast %parallel_loop3A_170 : i32 to index
        %parallel_loop3A_174 = tpu.vector_load %arg7[%parallel_loop3A_172, %parallel_loop3A_173] {strides = array<i32>} : memref<8x4032xf32, #tpu.memory_space<vmem>>, vector<16xf32>,
        tpu.vector_store %arg7[%parallel_loop3A_172, %parallel_loop3A_173], %parallel_loop3A_168 {strides = array<i32>} : memref<8x4032xf32, #tpu.memory_space<vmem>>, vector<16xf32>,
        %parallel_loop3A_175 = tpu.vector_load_idx %arg5[%add3A_14, %parallel_loop3A_167] : memref<8x4096xf32, #tpu.memory_space<vmem>>[vector<16xi32>, vector<16xi32>], vector<16xf32>,
        %parallel_loop3A_176 = arith.constant 16 : i32
        %parallel_loop3A_177 = arith.muli %parallel_loop3A_176, %parallel_loop3A_136 : i32
        %parallel_loop3A_178 = arith.constant 1 : i32
        %parallel_loop3A_179 = arith.index_cast %parallel_loop3A_178 : i32 to index
        %parallel_loop3A_180 = arith.index_cast %parallel_loop3A_177 : i32 to index
        %parallel_loop3A_181 = tpu.vector_load %arg7[%parallel_loop3A_179, %parallel_loop3A_180] {strides = array<i32>} : memref<8x4032xf32, #tpu.memory_space<vmem>>, vector<16xf32>,
        tpu.vector_store %arg7[%parallel_loop3A_179, %parallel_loop3A_180], %parallel_loop3A_175 {strides = array<i32>} : memref<8x4032xf32, #tpu.memory_space<vmem>>, vector<16xf32>,
        %parallel_loop3A_182 = tpu.vector_load_idx %arg5[%add3A_20, %parallel_loop3A_167] : memref<8x4096xf32, #tpu.memory_space<vmem>>[vector<16xi32>, vector<16xi32>], vector<16xf32>,
        %parallel_loop3A_183 = arith.constant 16 : i32
        %parallel_loop3A_184 = arith.muli %parallel_loop3A_183, %parallel_loop3A_136 : i32
        %parallel_loop3A_185 = arith.constant 2 : i32
        %parallel_loop3A_186 = arith.index_cast %parallel_loop3A_185 : i32 to index
        %parallel_loop3A_187 = arith.index_cast %parallel_loop3A_184 : i32 to index
        %parallel_loop3A_188 = tpu.vector_load %arg7[%parallel_loop3A_186, %parallel_loop3A_187] {strides = array<i32>} : memref<8x4032xf32, #tpu.memory_space<vmem>>, vector<16xf32>,
        tpu.vector_store %arg7[%parallel_loop3A_186, %parallel_loop3A_187], %parallel_loop3A_182 {strides = array<i32>} : memref<8x4032xf32, #tpu.memory_space<vmem>>, vector<16xf32>,
        %parallel_loop3A_189 = tpu.vector_load_idx %arg5[%add3A_26, %parallel_loop3A_167] : memref<8x4096xf32, #tpu.memory_space<vmem>>[vector<16xi32>, vector<16xi32>], vector<16xf32>,
        %parallel_loop3A_190 = arith.constant 16 : i32
        %parallel_loop3A_191 = arith.muli %parallel_loop3A_190, %parallel_loop3A_136 : i32
        %parallel_loop3A_192 = arith.constant 3 : i32
        %parallel_loop3A_193 = arith.index_cast %parallel_loop3A_192 : i32 to index
        %parallel_loop3A_194 = arith.index_cast %parallel_loop3A_191 : i32 to index
        %parallel_loop3A_195 = tpu.vector_load %arg7[%parallel_loop3A_193, %parallel_loop3A_194] {strides = array<i32>} : memref<8x4032xf32, #tpu.memory_space<vmem>>, vector<16xf32>,
        tpu.vector_store %arg7[%parallel_loop3A_193, %parallel_loop3A_194], %parallel_loop3A_189 {strides = array<i32>} : memref<8x4032xf32, #tpu.memory_space<vmem>>, vector<16xf32>,
        %parallel_loop3A_196 = tpu.vector_load_idx %arg5[%add3A_32, %parallel_loop3A_167] : memref<8x4096xf32, #tpu.memory_space<vmem>>[vector<16xi32>, vector<16xi32>], vector<16xf32>,
        %parallel_loop3A_197 = arith.constant 16 : i32
        %parallel_loop3A_198 = arith.muli %parallel_loop3A_197, %parallel_loop3A_136 : i32
        %parallel_loop3A_199 = arith.constant 4 : i32
        %parallel_loop3A_200 = arith.index_cast %parallel_loop3A_199 : i32 to index
        %parallel_loop3A_201 = arith.index_cast %parallel_loop3A_198 : i32 to index
        %parallel_loop3A_202 = tpu.vector_load %arg7[%parallel_loop3A_200, %parallel_loop3A_201] {strides = array<i32>} : memref<8x4032xf32, #tpu.memory_space<vmem>>, vector<16xf32>,
        tpu.vector_store %arg7[%parallel_loop3A_200, %parallel_loop3A_201], %parallel_loop3A_196 {strides = array<i32>} : memref<8x4032xf32, #tpu.memory_space<vmem>>, vector<16xf32>,
        %parallel_loop3A_203 = tpu.vector_load_idx %arg5[%add3A_38, %parallel_loop3A_167] : memref<8x4096xf32, #tpu.memory_space<vmem>>[vector<16xi32>, vector<16xi32>], vector<16xf32>,
        %parallel_loop3A_204 = arith.constant 16 : i32
        %parallel_loop3A_205 = arith.muli %parallel_loop3A_204, %parallel_loop3A_136 : i32
        %parallel_loop3A_206 = arith.constant 5 : i32
        %parallel_loop3A_207 = arith.index_cast %parallel_loop3A_206 : i32 to index
        %parallel_loop3A_208 = arith.index_cast %parallel_loop3A_205 : i32 to index
        %parallel_loop3A_209 = tpu.vector_load %arg7[%parallel_loop3A_207, %parallel_loop3A_208] {strides = array<i32>} : memref<8x4032xf32, #tpu.memory_space<vmem>>, vector<16xf32>,
        tpu.vector_store %arg7[%parallel_loop3A_207, %parallel_loop3A_208], %parallel_loop3A_203 {strides = array<i32>} : memref<8x4032xf32, #tpu.memory_space<vmem>>, vector<16xf32>,
        %parallel_loop3A_210 = tpu.vector_load_idx %arg5[%add3A_44, %parallel_loop3A_167] : memref<8x4096xf32, #tpu.memory_space<vmem>>[vector<16xi32>, vector<16xi32>], vector<16xf32>,
        %parallel_loop3A_211 = arith.constant 16 : i32
        %parallel_loop3A_212 = arith.muli %parallel_loop3A_211, %parallel_loop3A_136 : i32
        %parallel_loop3A_213 = arith.constant 6 : i32
        %parallel_loop3A_214 = arith.index_cast %parallel_loop3A_213 : i32 to index
        %parallel_loop3A_215 = arith.index_cast %parallel_loop3A_212 : i32 to index
        %parallel_loop3A_216 = tpu.vector_load %arg7[%parallel_loop3A_214, %parallel_loop3A_215] {strides = array<i32>} : memref<8x4032xf32, #tpu.memory_space<vmem>>, vector<16xf32>,
        tpu.vector_store %arg7[%parallel_loop3A_214, %parallel_loop3A_215], %parallel_loop3A_210 {strides = array<i32>} : memref<8x4032xf32, #tpu.memory_space<vmem>>, vector<16xf32>,
        %parallel_loop3A_217 = tpu.vector_load_idx %arg5[%add3A_50, %parallel_loop3A_167] : memref<8x4096xf32, #tpu.memory_space<vmem>>[vector<16xi32>, vector<16xi32>], vector<16xf32>,
        %parallel_loop3A_218 = arith.constant 16 : i32
        %parallel_loop3A_219 = arith.muli %parallel_loop3A_218, %parallel_loop3A_136 : i32
        %parallel_loop3A_220 = arith.constant 7 : i32
        %parallel_loop3A_221 = arith.index_cast %parallel_loop3A_220 : i32 to index
        %parallel_loop3A_222 = arith.index_cast %parallel_loop3A_219 : i32 to index
        %parallel_loop3A_223 = tpu.vector_load %arg7[%parallel_loop3A_221, %parallel_loop3A_222] {strides = array<i32>} : memref<8x4032xf32, #tpu.memory_space<vmem>>, vector<16xf32>,
        tpu.vector_store %arg7[%parallel_loop3A_221, %parallel_loop3A_222], %parallel_loop3A_217 {strides = array<i32>} : memref<8x4032xf32, #tpu.memory_space<vmem>>, vector<16xf32>,
      } {sc.loop_unroll_factor = 8 : i64, sc.parallel_access}
      %mul3A_124 = arith.constant 8 : i32
      %mul3A_125 = arith.muli %add3A_108, %mul3A_124 : i32
      %add3A_126 = arith.addi %mul3A_2, %mul3A_125 : i32
      %dma_start3A_127 = arith.constant 0 : i32
      %dma_start3A_128 = tpu.memref_slice %arg3[%add3A_126, %dma_start3A_127] : memref<4096x4032xf32, #tpu.memory_space<hbm>> -> memref<8x4032xf32, #tpu.memory_space<hbm>>
      %dma_start3A_129 = arith.constant 0 : i32
      %dma_start3A_130 = tpu.memref_slice %arg3[%add3A_126, %dma_start3A_129] : memref<4096x4032xf32, #tpu.memory_space<hbm>> -> memref<8x4032xf32, #tpu.memory_space<hbm>>
      tpu.enqueue_dma source(%arg7 : memref<8x4032xf32, #tpu.memory_space<vmem>>) target(%dma_start3A_130 : memref<8x4032xf32, #tpu.memory_space<hbm>>) target_semaphore(%arg11 : memref<!tpu.dma_semaphore, #tpu.memory_space<semaphore_mem>>)
      %le3A_131 = arith.constant 6 : i32
      %le3A_132 = arith.cmpi sle, %scan3A_78, %le3A_131 : i32
      %convert_element_type3A_133 = arith.extui %le3A_132 : i1 to i32
      %cond3A_134 = arith.constant 0 : i32
      %cond3A_135 = arith.cmpi ne, %convert_element_type3A_133, %cond3A_134 : i32
      scf.if %cond3A_135 {
        %add3A_136 = arith.constant 2 : i32
        %add3A_137 = arith.addi %add3A_108, %add3A_136 : i32
        %mul3A_138 = arith.constant 8 : i32
        %mul3A_139 = arith.muli %add3A_137, %mul3A_138 : i32
        %add3A_140 = arith.addi %mul3A_2, %mul3A_139 : i32
        %dma_start3A_141 = arith.constant 0 : i32
        %dma_start3A_142 = tpu.memref_slice %arg2[%add3A_140, %dma_start3A_141] : memref<4096x4096xf32, #tpu.memory_space<hbm>> -> memref<8x4096xf32, #tpu.memory_space<hbm>>
        %dma_start3A_143 = arith.constant 0 : i32
        %dma_start3A_144 = tpu.memref_slice %arg2[%add3A_140, %dma_start3A_143] : memref<4096x4096xf32, #tpu.memory_space<hbm>> -> memref<8x4096xf32, #tpu.memory_space<hbm>>
        tpu.enqueue_dma source(%dma_start3A_144 : memref<8x4096xf32, #tpu.memory_space<hbm>>) target(%arg5 : memref<8x4096xf32, #tpu.memory_space<vmem>>) target_semaphore(%arg9 : memref<!tpu.dma_semaphore, #tpu.memory_space<semaphore_mem>>)
      } else {
      }
    }
    %scan3A_66 = arith.constant 8 : i32
    %add3A_67 = arith.constant 112 : i32
    %add3A_68 = arith.addi %mul3A_2, %add3A_67 : i32
    %dma_wait3A = arith.constant 0 : i32
    %dma_wait3A_69 = tpu.memref_slice %arg3[%add3A_68, %dma_wait3A] : memref<4096x4032xf32, #tpu.memory_space<hbm>> -> memref<8x4032xf32, #tpu.memory_space<hbm>>
    %dma_wait3A_70 = arith.constant 0 : i32
    %dma_wait3A_71 = tpu.memref_slice %arg3[%add3A_68, %dma_wait3A_70] : memref<4096x4032xf32, #tpu.memory_space<hbm>> -> memref<8x4032xf32, #tpu.memory_space<hbm>>
    tpu.wait_dma2 semaphore(%arg10 : memref<!tpu.dma_semaphore, #tpu.memory_space<semaphore_mem>>) src(%arg6 : memref<8x4032xf32, #tpu.memory_space<vmem>>) dst(%dma_wait3A_71 : memref<8x4032xf32, #tpu.memory_space<hbm>>)
    %add3A_72 = arith.constant 120 : i32
    %add3A_73 = arith.addi %mul3A_2, %add3A_72 : i32
    %dma_wait3A_74 = arith.constant 0 : i32
    %dma_wait3A_75 = tpu.memref_slice %arg3[%add3A_73, %dma_wait3A_74] : memref<4096x4032xf32, #tpu.memory_space<hbm>> -> memref<8x4032xf32, #tpu.memory_space<hbm>>
    %dma_wait3A_76 = arith.constant 0 : i32
    %dma_wait3A_77 = tpu.memref_slice %arg3[%add3A_73, %dma_wait3A_76] : memref<4096x4032xf32, #tpu.memory_space<hbm>> -> memref<8x4032xf32, #tpu.memory_space<hbm>>
    tpu.wait_dma2 semaphore(%arg11 : memref<!tpu.dma_semaphore, #tpu.memory_space<semaphore_mem>>) src(%arg7 : memref<8x4032xf32, #tpu.memory_space<vmem>>) dst(%dma_wait3A_77 : memref<8x4032xf32, #tpu.memory_space<hbm>>)
    return
  }
}

</mosaic_0001>

<sc_bundles>
// kernel: kernel.3.cloned.1.call-start
scs
__scs_entry_jumppad:
0x0: {  	(pc) =	sbr.rel $0x88, $3  }
0x1: {  	(tag) =	ssettag $0x0;
	lr =	simm.s32 $0x1  }
0x2: {  	[smem:$0x3FA0] =	sst lr;
	_ =	strace $0xD0000000  }
0x3: {  	_ = 	snop  }
0x4: {  	_ = 	snop  }
0x5: {  	_ = 	snop  }
0x6: {  	_ = 	snop  }
0x7: {  	_ = 	snop  }
__scs_overlays_trampoline_lowered:
0x8: {  	[smem:$0x3FAF] =	sst s0  }
0x9: {  	[smem:$0x3FB0] =	sst s1  }
0xa: {  	[smem:$0x3FB1] =	sst s2  }
0xb: {  	[smem:$0x3FB2] =	sst s3  }
0xc: {  	[smem:$0x3FB3] =	sst s4  }
0xd: {  	[smem:$0x3FB4] =	sst s5  }
0xe: {  	[smem:$0x3FB5] =	sst s6  }
0xf: {  	[smem:$0x3FB6] =	sst s7  }
0x10: {  	[smem:$0x3FB7] =	sst s8  }
0x11: {  	[smem:$0x3FB8] =	sst s9;
	s0 =	simm.s32 @!p0 $0x0  }
0x12: {  	s1 =	sld [smem:$0x3F9E];
	s0 =	simm.s32 @p0 $0x1  }
0x13: {  	[smem:$0x3FB9] =	sst s0;
	s0 =	simm.s32 @!p1 $0x0  }
0x14: {  	s2 =	sld [smem:$0x3F9D];
	s0 =	simm.s32 @p1 $0x1  }
0x15: {  	[smem:$0x3FBA] =	sst s0;
	s0 =	simm.s32 @!p2 $0x0  }
0x16: {  	s3 =	sld [smem:$0x3FDB];
	s0 =	simm.s32 @p2 $0x1  }
0x17: {  	s4 =	simm.s32 $0x1BF5;
	[smem:$0x3FBC] =	sst s0  }
0x18: {  	s0 =	sld [smem:$0x3F9F];
	_ =	swait.ge [sflag:s4], $0x0  }
0x19: {  	s7 =	sld [smem:$0x3FA0]  }
0x1a: {  	s8 =	sadd.s32 $0xFFFFE003, lr  }
0x1b: {  	s9 =	sadd.s32 $0xFFFFFEF7, lr;
	s5 =	simm.s32 $0xFFFFFFFF;
	p2 =	slt.u32 s8, $0xFFFFF086  }
0x1c: {  	p1 =	slt.u32 s9, $0xF7A;
	s5 =	simm.s32 @!p2 $0x0  }
0x1d: {  	s5 =	simm.s32 @p1 $0x1;
	p0 =	seq.s32 s7, s2  }
0x1e: {  	s7 =	smul.u32 @!p0 $0xF7A, s2;
	p2 =	seq.s32 @!p0 s5, $0x0  }
0x1f: {  	s9 =	smul.u32 $0xF7A, s1;
	s8 =	simm.s32 @!p0 $0x1BF5;
	p2 =	por !p2, p0  }
0x20: {  	[sflag:s8] =	ssyncset.s32 @!p0 $0xFFFFF086;
	s6 =	sadd.s32 @!p0 s3, s7;
	s7 =	simm.s32 @!p0 $0x108  }
0x21: {  	s3 =	sadd.s32 s3, s9;
	s6 =	sadd.s32 @!p0 $0x88, s6;
	s7 =	simm.s32 @p2 $0x1082  }
0x22: {  	[simem:s7], [sflag:s8] =	dma.local @!p0 [hbm:s6], $0xF7A  }
0x23: {  	s9 =	sor.u32 $0xD0000000, s2;
	s6 =	simm.s32 $0x108;
	_ =	swait.ge @!p0 [sflag:s8], $0x0  }
0x24: {  	s3 =	sadd.s32 $0x88, s3;
	s6 =	simm.s32 @!p1 $0x1082;
	[sflag:s4] =	ssyncset.s32 $0xFFFFF086  }
0x25: {  	[simem:s6], [sflag:s4] =	dma.local [hbm:s3], $0xF7A  }
0x26: {  	[smem:$0x3FA0] =	sst s1;
	(tag) =	ssettag s2;
	_ =	strace s9  }
0x27: {  	s1 =	sld [smem:$0x3FB0]  }
0x28: {  	s2 =	sld [smem:$0x3FB1]  }
0x29: {  	s4 =	sld [smem:$0x3FB3]  }
0x2a: {  	p0 =	seq.s32 s5, $0x0;
	s5 =	sld [smem:$0x3FB4]  }
0x2b: {  	s6 =	sld [smem:$0x3FB5]  }
0x2c: {  	s7 =	sld [smem:$0x3FB6]  }
0x2d: {  	s3 =	simm.s32 $0x108;
	s8 =	sld [smem:$0x3FB7]  }
0x2e: {  	s3 =	simm.s32 @!p0 $0x1082;
	s9 =	sld [smem:$0x3FB8]  }
0x2f: {  	lr =	sadd.s32 s0, s3;
	s0 =	sld [smem:$0x3FAF]  }
0x30: {  	s3 =	sld [smem:$0x3FB2]  }
0x31: {  	[smem:$0x3FBB] =	sst s10  }
0x32: {  	s10 =	sld [smem:$0x3FB9];
	_ =	sdelay $0x3  }
0x33: {  	p0 =	seq.s32 s10, $0x1;
	s10 =	sld [smem:$0x3FBB];
	_ =	sdelay $0x3  }
0x34: {  	[smem:$0x3FBB] =	sst s10  }
0x35: {  	s10 =	sld [smem:$0x3FBA];
	_ =	sdelay $0x3  }
0x36: {  	p1 =	seq.s32 s10, $0x1;
	s10 =	sld [smem:$0x3FBB];
	_ =	sdelay $0x3  }
0x37: {  	[smem:$0x3FBB] =	sst s10  }
0x38: {  	s10 =	sld [smem:$0x3FBC]  }
0x39: {  	_ = 	snop;
	(pc) =	sbr.ind lr, $3  }
0x3a: {  	_ = 	snop  }
0x3b: {  	_ = 	snop  }
0x3c: {  	p2 =	seq.s32 s10, $0x1;
	s10 =	sld [smem:$0x3FBB]  }
0x3d: {  	_ =	shalt  }
0x3e: {  	_ =	shalt  }
0x3f: {  	_ =	shalt  }
0x40: {  	_ =	shalt  }
0x41: {  	_ =	shalt  }
0x42: {  	_ =	shalt  }
0x43: {  	_ =	shalt  }
0x44: {  	_ =	shalt  }
0x45: {  	_ =	shalt  }
0x46: {  	_ =	shalt  }
0x47: {  	_ =	shalt  }
0x48: {  	_ =	shalt  }
0x49: {  	_ =	shalt  }
0x4a: {  	_ =	shalt  }
0x4b: {  	_ =	shalt  }
0x4c: {  	_ =	shalt  }
0x4d: {  	_ =	shalt  }
0x4e: {  	_ =	shalt  }
0x4f: {  	_ =	shalt  }
0x50: {  	_ =	shalt  }
0x51: {  	_ =	shalt  }
0x52: {  	_ =	shalt  }
0x53: {  	_ =	shalt  }
0x54: {  	_ =	shalt  }
0x55: {  	_ =	shalt  }
0x56: {  	_ =	shalt  }
0x57: {  	_ =	shalt  }
0x58: {  	_ =	shalt  }
0x59: {  	_ =	shalt  }
0x5a: {  	_ =	shalt  }
0x5b: {  	_ =	shalt  }
0x5c: {  	_ =	shalt  }
0x5d: {  	_ =	shalt  }
0x5e: {  	_ =	shalt  }
0x5f: {  	_ =	shalt  }
0x60: {  	_ =	shalt  }
0x61: {  	_ =	shalt  }
0x62: {  	_ =	shalt  }
0x63: {  	_ =	shalt  }
0x64: {  	_ =	shalt  }
0x65: {  	_ =	shalt  }
0x66: {  	_ =	shalt  }
0x67: {  	_ =	shalt  }
0x68: {  	_ =	shalt  }
0x69: {  	_ =	shalt  }
0x6a: {  	_ =	shalt  }
0x6b: {  	_ =	shalt  }
0x6c: {  	_ =	shalt  }
0x6d: {  	_ =	shalt  }
0x6e: {  	_ =	shalt  }
0x6f: {  	_ =	shalt  }
0x70: {  	_ =	shalt  }
0x71: {  	_ =	shalt  }
0x72: {  	_ =	shalt  }
0x73: {  	_ =	shalt  }
0x74: {  	_ =	shalt  }
0x75: {  	_ =	shalt  }
0x76: {  	_ =	shalt  }
0x77: {  	_ =	shalt  }
0x78: {  	_ =	shalt  }
0x79: {  	_ =	shalt  }
0x7a: {  	_ =	shalt  }
0x7b: {  	_ =	shalt  }
0x7c: {  	_ =	shalt  }
0x7d: {  	_ =	shalt  }
0x7e: {  	_ =	shalt  }
0x7f: {  	_ =	shalt  }
0x80: {  	_ =	shalt  }
0x81: {  	_ =	shalt  }
0x82: {  	_ =	shalt  }
0x83: {  	_ =	shalt  }
0x84: {  	_ =	shalt  }
0x85: {  	_ =	shalt  }
0x86: {  	_ =	shalt  }
0x87: {  	_ =	shalt  }
.Lfunc_end0:
.L_simem_size_0:
called_computation_lowered:
.L_overlay_start_0:
0x88: {  	s2 =	sld [smem:$0x3FD9]  }
0x89: {  	s3 =	sld [smem:$0x3FFE];
	_ =	sdelay $0x1  }
0x8a: {  	s1 =	srdreg.scid  }
0x8b: {  	s0 =	sand.u32 $0x1, s1  }
0x8c: {  	s17 =	sshll.u32 s0, $0xA;
	s2 =	sadd.s32 s3, s2  }
0x8d: {  	s2 =	sadd.s32 s2, s17  }
0x8e: {  	[smem:$0x3FC7] =	sst s2  }
0x8f: {  	_ = 	snop  }
0x90: {  	s2 =	sld [smem:$0x3FC9];
	(tm) =	ssettm $0x1  }
0x91: {  	s18 =	sld [smem:$0x3FFB];
	_ =	sdelay $0x3  }
0x92: {  	_ =	strace s18  }
0x93: {  	s3 =	sld [smem:$0x3FFC];
	_ =	sdelay $0x3  }
0x94: {  	_ =	strace s3  }
0x95: {  	s3 =	sld [smem:$0x3FFD];
	_ =	sdelay $0x3  }
0x96: {  	_ =	strace s3  }
0x97: {  	_ =	strace $0x8FFFFFFF  }
0x98: {  	s19 =	sld [smem:$0x3FDB];
	_ =	sdelay $0x1  }
0x99: {  	s4 =	simm.s32 $_scs_section_size  }
0x9a: {  	s5 =	simm.s32 $_size__tile_overlayer_lowered;
	s6 =	simm.s32 $_tile_overlayer_lowered  }
0x9b: {  	s22 =	simm.s32 $0x1BFF;
	s21 =	sshll.u32 s6, $0x1;
	s3 =	sadd.s32 s4, s19  }
0x9c: {  	s7 =	simm.s32 $0x0;
	s20 =	sshll.u32 s5, $0x1;
	s5 =	sadd.s32 s21, s3  }
0x9d: {  	[timem:s7], [sflag:s22] =	dma.local [hbm:s5], s20  }
0x9e: {  	_ =	swait.ge [sflag:s22], s20  }
0x9f: {  	s4 =	ssub.s32 $0x0, s20;
	[sflag:s22] =	ssyncset.done $0x0  }
0xa0: {  	[sflag:s22] =	ssyncadd.s32 s4;
	_ =	sdelay $0x1  }
0xa1: {  	s23 =	simm.s32 $0x1B8B  }
0xa2: {  	_ =	swait.ge [sflag:s23], $0x1  }
0xa3: {  	[sflag:s23] =	ssyncset.done $0x0  }
0xa4: {  	s25 =	simm.s32 $0x1B8E;
	s24 =	sld [smem:$0x3FFE];
	[sflag:s23] =	ssyncadd.s32 $0xFFFFFFFF  }
0xa5: {  	s26 =	simm.s32 $execute0_lowered;
	[smem:$0x3FD2] =	sst s25  }
0xa6: {  	s5 =	sshll.u32 s26, $0x1;
	_ =	strace $0x80000046;
	[dreg:$0x1] =	wrdreg $0xFFFFFFFF  }
0xa7: {  	s28 =	simm.s32 $_size_execute0_lowered;
	s3 =	sadd.s32 s3, s5;
	[dreg:$0x0] =	wrdreg $0x0  }
0xa8: {  	s5 =	sshll.u32 s28, $0x1;
	[dreg:$0x2] =	wrdreg s3  }
0xa9: {  	[dreg:$0x3] =	wrdreg s5  }
0xaa: {  	[dreg:$0x4] =	wrdreg $0xC0  }
0xab: {  	_ =	task [dreg:s7], $0x5FFFF  }
0xac: {  	[dreg:$0x1] =	wrdreg $0xFFFFFFFF  }
0xad: {  	[dreg:$0x0] =	wrdreg $0x60  }
0xae: {  	[dreg:$0x2] =	wrdreg s2  }
0xaf: {  	[dreg:$0x3] =	wrdreg s24  }
0xb0: {  	[dreg:$0x4] =	wrdreg $0x9  }
0xb1: {  	_ =	task.clear_ibuf [dreg:s7], $0x5FFFF;
	_ =	strace $0x90000046  }
0xb2: {  	s29 =	simm.s32 $0x9;
	_ =	strace $0x80000048  }
0xb3: {  	_ =	swait.ge [sflag:s29], $0x1  }
0xb4: {  	[sflag:s29] =	ssyncadd.s32 $0xFFFFFFFF  }
0xb5: {  	_ =	strace $0x90000048  }
0xb6: {  	_ =	sfence  }
0xb7: {  	s30 =	sld [smem:$0x0];
	_ =	sdelay $0x2  }
0xb8: {  	s31 =	sshll.u32 s1, $0xD;
	s1 =	sshrl.u32 s1, $0x2  }
0xb9: {  	s3 =	sand.u32 $0x4000, s31;
	s1 =	sadd.s32 s1, s30  }
0xba: {  	s0 =	sor.u32 s3, s0;
	s1 =	sshll.u32 s1, $0x11  }
0xbb: {  	s0 =	sor.u32 s1, s0  }
0xbc: {  	s0 =	sadd.s32 $0x8F2B, s0  }
0xbd: {  	[sflag:s0] =	ssyncadd.remote.s32 $0x1  }
0xbe: {  	_ =	sfence.sel $0xFFFF  }
0xbf: {  	[dreg:$0x0] =	wrdreg $0xFFFFFFFF;
	(pc) =	sbr.abs _section_cstart, $3  }
0xc0: {  	[dreg:$0x1] =	wrdreg $0xFFFFFFFF  }
0xc1: {  	_ =	task.clear_ibuf [dreg:s7], $0x2FFFF;
	_ =	strace $0x9FFFFFFF  }
0xc2: {  	(tm) =	ssettm $0x7FFFFFFF  }
0xc3: {  	_ =	shalt  }
tec
execute0_lowered:
.L_overlay_start_1:
0x0: {  	(tag) =	ssettag $0x1  }
0x1: {  	s1 =	srdreg.scid;
	s2 =	rddreg [dreg:$0x0]  }
0x2: {  	s0 =	stileid.u32;
	s6 =	rddreg [dreg:$0x1];
	s3 =	simm.s32 $0x0  }
0x3: {  	s12 =	simm.s32 $0x8000;
	s13 =	simm.s32 $0x1;
	s14 =	simm.s32 $0x10000  }
0x4: {  	s15 =	simm.s32 $0x2;
	s16 =	simm.s32 $0x18000;
	s17 =	simm.s32 $0x3  }
0x5: {  	s18 =	simm.s32 $0x4;
	s19 =	simm.s32 $0x0;
	s5 =	sand.u32 $0x1, s1  }
0x6: {  	s4 =	sshll.u32 s0, $0x8;
	[smem:$0x7FF] =	sst s3;
	s7 =	sshll.u32 s5, $0x7  }
.Ltmp0:
0x7: {  	s30 =	ssub.s32 $0x2, s5;
	s4 =	sor.u32 s7, s4;
	(pc) =	sbr.rel .LBB2_1-.Ltmp0, $4  }
0x8: {  	s6 =	sadd.s32 $0x400, s6;
	s9 =	sshrl.u32 s30, $0x1;
	s8 =	sshll.u32 s4, $0x9  }
0x9: {  	_ =	strace $0x80000047;
	s11 =	ssub.s32 s30, s9;
	s5 =	sadd.s32 s2, s8  }
0xa: {  	s9 =	sor.u32 $0x10, s4;
	s10 =	sor.u32 $0x18, s4;
	s31 =	sadd.s32 $0x1000, s5  }
0xb: {  	v0 =	vlaneseq.u32;
	s8 =	sadd.s32 s6, s8;
	s11 =	smax.u32 s11, $0x1;
	[dreg:$0x3] =	wrdreg s31  }
.LBB2_12:
0xc: {  	s19 =	sadd.s32 $0x1, s19  }
0xd: {  	_ =	swait.ge [sflag:s17], $0x8000;
	p0 =	sne.s32 s19, s11  }
.Ltmp1:
0xe: {  	[sflag:s17] =	ssyncset.done $0x0;
	(pc) =	sbr.rel @!p0 .LBB2_13-.Ltmp1, $4  }
0xf: {  	[sflag:s17] =	ssyncadd.s32 $0xFFFF8000  }
0x10: {  	_ =	swait.ge [sflag:s18], $0x8000  }
0x11: {  	[sflag:s18] =	ssyncset.done $0x0  }
0x12: {  	[sflag:s18] =	ssyncadd.s32 $0xFFFF8000  }
.LBB2_1:
0x13: {  	[tilespmem:s3], [sflag:$0x1] =	stream.linear.gather [hbm4b:s5+s3], $0x8000, $0x38;
	v63 =	vld [tilespmem:$0x0]  }
0x14: {  	s0 =	rddreg [dreg:$0x3];
	s20 =	simm.s32 $0x0  }
0x15: {  	[tilespmem:s12], [sflag:$0x2] =	stream.linear.gather [hbm4b:s0+s3], $0x8000, $0x38;
	v63 =	vld [tilespmem:$0x0]  }
.LBB2_2:
0x16: {  	s21 =	simm.s32 $0x62  }
0x17: {  	s22 =	simm.s32 $0x72;
	s24 =	simm.s32 $0x31;
	v1 =	vadd.s32 s21, v0  }
0x18: {  	s7 =	simm.s32 $0x1;
	v6 =	vadd.s32 s22, v0;
	v4 =	vadd.s32 s24, v0;
	v2 =	vshll.u32 v1, $0x3  }
0x19: {  	_ =	swait.ge [sflag:s13], $0x8000;
	s25 =	simm.s32 $0x42;
	s26 =	simm.s32 $0x52;
	v5 =	vadd.s32 s7, v0;
	v1 =	vand.u32 $0x7F, v1;
	v2 =	vand.u32 $0xFFFFFC00, v2  }
0x1a: {  	p1 =	seq.s32 s20, $0x0;
	s23 =	simm.s32 $0x11;
	[sflag:s13] =	ssyncset.done $0x0;
	v7 =	vadd.s32 s25, v0;
	v8 =	vadd.s32 s26, v0;
	v3 =	vor.u32 v1, v2  }
0x1b: {  	s1 =	simm.s32 $0x21;
	s21 =	simm.s32 @!p1 $0x3;
	[sflag:s13] =	ssyncadd.s32 $0xFFFF8000;
	v9 =	vshll.u32 v5, $0x3;
	v12 =	vshll.u32 v4, $0x3;
	v5 =	vand.u32 $0x7F, v5  }
0x1c: {  	_ =	swait.ge @!p1 [sflag:s21], $0x8000;
	v9 =	vand.u32 $0x7FFFFC00, v9;
	v1 =	vadd.s32 s23, v0;
	v2 =	vadd.s32 s1, v0  }
0x1d: {  	[sflag:s21] =	ssyncset.done @!p1 $0x0;
	v10 =	vshll.u32 v1, $0x3;
	v11 =	vshll.u32 v2, $0x3;
	v16 =	vand.u32 $0x7F, v1  }
0x1e: {  	s22 =	simm.s32 $0x0;
	[sflag:s21] =	ssyncadd.s32 @!p1 $0xFFFF8000;
	v1 =	vor.u32 v5, v9;
	v9 =	vand.u32 $0x7F, v2;
	v5 =	vand.u32 $0xFFFFFC00, v11  }
0x1f: {  	v13 =	vshll.u32 v7, $0x3;
	v11 =	vand.u32 $0x7F, v4;
	v4 =	vor.u32 v9, v5;
	v15 =	vld.idx.msk [tilespmem:v3+s22+$0x0], $0xffff  }
0x20: {  	v14 =	vshll.u32 v8, $0x3;
	v17 =	vor.u32 $0x80, v3;
	v10 =	vand.u32 $0xFFFFFC00, v10  }
0x21: {  	v7 =	vand.u32 $0x7F, v7;
	v2 =	vor.u32 v16, v10;
	v9 =	vand.u32 $0xFFFFFC00, v13  }
0x22: {  	v10 =	vand.u32 $0xFFFFFC00, v12;
	v16 =	vor.u32 v7, v9;
	v9 =	vshll.u32 v6, $0x3  }
0x23: {  	s23 =	simm.s32 $0x10200;
	v5 =	vor.u32 v11, v10;
	v6 =	vand.u32 $0x7F, v6;
	v9 =	vand.u32 $0xFFFFFC00, v9  }
0x24: {  	v8 =	vand.u32 $0x7F, v8;
	v10 =	vand.u32 $0xFFFFFC00, v14;
	v18 =	vor.u32 v6, v9;
	v6 =	vld.idx.msk [tilespmem:v4+s22+$0x0], $0xffff;
	[tilespmem:s23+$0xFFFFFE60] =	vst v15  }
0x25: {  	v7 =	vld.idx.msk [tilespmem:v17+s22+$0x0], $0xffff;
	v17 =	vor.u32 v8, v10  }
0x26: {  	v10 =	vld.idx.msk [tilespmem:v2+s22+$0x0], $0xffff  }
0x27: {  	v11 =	vor.u32 $0x100, v3;
	v8 =	vld.idx.msk [tilespmem:v1+s22+$0x0], $0xffff  }
0x28: {  	v9 =	vor.u32 $0x80, v1;
	v12 =	vld.idx.msk [tilespmem:v5+s22+$0x0], $0xffff  }
0x29: {  	v14 =	vld.idx.msk [tilespmem:v16+s22+$0x0], $0xffff;
	v15 =	vor.u32 $0x80, v4;
	[tilespmem:s23+$0xFFFFFE20] =	vst v6  }
0x2a: {  	v13 =	vor.u32 $0x80, v2;
	v19 =	vld.idx.msk [tilespmem:v17+s22+$0x0], $0xffff;
	[tilespmem:s23+$0xFFFFFEE0] =	vst v7  }
0x2b: {  	v7 =	vor.u32 $0x80, v5;
	[tilespmem:s23+$0xFFFFFE10] =	vst v10;
	v10 =	vld.idx.msk [tilespmem:v18+s22+$0x0], $0xffff  }
0x2c: {  	[tilespmem:s23+$0xFFFFFE00] =	vst v8;
	v8 =	vld.idx.msk [tilespmem:v11+s22+$0x0], $0xffff;
	v11 =	vor.u32 $0x80, v16  }
0x2d: {  	v20 =	vor.u32 $0x80, v17;
	[tilespmem:s23+$0xFFFFFE30] =	vst v12;
	v9 =	vld.idx.msk [tilespmem:v9+s22+$0x0], $0xffff  }
0x2e: {  	v12 =	vor.u32 $0x80, v18;
	[tilespmem:s23+$0xFFFFFE40] =	vst v14;
	v15 =	vld.idx.msk [tilespmem:v15+s22+$0x0], $0xffff  }
0x2f: {  	v6 =	vor.u32 $0x180, v3;
	v13 =	vld.idx.msk [tilespmem:v13+s22+$0x0], $0xffff;
	[tilespmem:s23+$0xFFFFFE50] =	vst v19  }
0x30: {  	v14 =	vor.u32 $0x100, v1;
	v7 =	vld.idx.msk [tilespmem:v7+s22+$0x0], $0xffff;
	[tilespmem:s23+$0xFFFFFE70] =	vst v10  }
0x31: {  	v19 =	vor.u32 $0x100, v2;
	v11 =	vld.idx.msk [tilespmem:v11+s22+$0x0], $0xffff;
	[tilespmem:s23+$0xFFFFFF60] =	vst v8  }
0x32: {  	v8 =	vor.u32 $0x100, v4;
	[tilespmem:s23+$0xFFFFFE80] =	vst v9;
	v9 =	vld.idx.msk [tilespmem:v20+s22+$0x0], $0xffff  }
0x33: {  	v10 =	vor.u32 $0x100, v5;
	v12 =	vld.idx.msk [tilespmem:v12+s22+$0x0], $0xffff  }
0x34: {  	[tilespmem:s23+$0xFFFFFEA0] =	vst v15;
	v20 =	vor.u32 $0x100, v16;
	v6 =	vld.idx.msk [tilespmem:v6+s22+$0x0], $0xffff  }
0x35: {  	v15 =	vor.u32 $0x100, v17;
	[tilespmem:s23+$0xFFFFFE90] =	vst v13;
	v14 =	vld.idx.msk [tilespmem:v14+s22+$0x0], $0xffff  }
0x36: {  	v13 =	vor.u32 $0x200, v3;
	v19 =	vld.idx.msk [tilespmem:v19+s22+$0x0], $0xffff;
	[tilespmem:s23+$0xFFFFFEB0] =	vst v7  }
0x37: {  	v7 =	vor.u32 $0x100, v18;
	v8 =	vld.idx.msk [tilespmem:v8+s22+$0x0], $0xffff;
	[tilespmem:s23+$0xFFFFFEC0] =	vst v11  }
0x38: {  	v11 =	vor.u32 $0x180, v1;
	v10 =	vld.idx.msk [tilespmem:v10+s22+$0x0], $0xffff;
	[tilespmem:s23+$0xFFFFFED0] =	vst v9  }
0x39: {  	[tilespmem:s23+$0xFFFFFFE0] =	vst v6;
	v6 =	vor.u32 $0x180, v2;
	v20 =	vld.idx.msk [tilespmem:v20+s22+$0x0], $0xffff  }
0x3a: {  	[tilespmem:s23+$0xFFFFFEF0] =	vst v12;
	v12 =	vld.idx.msk [tilespmem:v15+s22+$0x0], $0xffff;
	v15 =	vor.u32 $0x180, v5  }
0x3b: {  	[tilespmem:s23+$0xFFFFFF00] =	vst v14;
	v9 =	vld.idx.msk [tilespmem:v13+s22+$0x0], $0xffff;
	v13 =	vor.u32 $0x180, v4  }
0x3c: {  	v14 =	vor.u32 $0x280, v3;
	[tilespmem:s23+$0xFFFFFF10] =	vst v19;
	v7 =	vld.idx.msk [tilespmem:v7+s22+$0x0], $0xffff  }
0x3d: {  	v19 =	vor.u32 $0x180, v16;
	v11 =	vld.idx.msk [tilespmem:v11+s22+$0x0], $0xffff;
	[tilespmem:s23+$0xFFFFFF20] =	vst v8  }
0x3e: {  	v8 =	vor.u32 $0x180, v17;
	[tilespmem:s23+$0xFFFFFF30] =	vst v10;
	v6 =	vld.idx.msk [tilespmem:v6+s22+$0x0], $0xffff  }
0x3f: {  	v10 =	vor.u32 $0x180, v18;
	[tilespmem:s23+$0xFFFFFF40] =	vst v20;
	v15 =	vld.idx.msk [tilespmem:v15+s22+$0x0], $0xffff  }
0x40: {  	v13 =	vld.idx.msk [tilespmem:v13+s22+$0x0], $0xffff;
	[tilespmem:s23+$0x60] =	vst v9;
	v9 =	vor.u32 $0x200, v1  }
0x41: {  	v20 =	vor.u32 $0x200, v2;
	[tilespmem:s23+$0xFFFFFF50] =	vst v12;
	v14 =	vld.idx.msk [tilespmem:v14+s22+$0x0], $0xffff  }
0x42: {  	v12 =	vld.idx.msk [tilespmem:v19+s22+$0x0], $0xffff;
	v19 =	vor.u32 $0x300, v3;
	[tilespmem:s23+$0xFFFFFF70] =	vst v7  }
0x43: {  	v7 =	vor.u32 $0x200, v4;
	[tilespmem:s23+$0xFFFFFF80] =	vst v11;
	v8 =	vld.idx.msk [tilespmem:v8+s22+$0x0], $0xffff  }
0x44: {  	v11 =	vor.u32 $0x200, v5;
	[tilespmem:s23+$0xFFFFFF90] =	vst v6;
	v6 =	vld.idx.msk [tilespmem:v10+s22+$0x0], $0xffff  }
0x45: {  	v10 =	vor.u32 $0x200, v16;
	v9 =	vld.idx.msk [tilespmem:v9+s22+$0x0], $0xffff;
	[tilespmem:s23+$0xFFFFFFA0] =	vst v13  }
0x46: {  	v13 =	vor.u32 $0x200, v17;
	v20 =	vld.idx.msk [tilespmem:v20+s22+$0x0], $0xffff;
	[tilespmem:s23+$0xE0] =	vst v14  }
0x47: {  	[tilespmem:s23+$0xFFFFFFB0] =	vst v15;
	v14 =	vor.u32 $0x200, v18;
	v15 =	vld.idx.msk [tilespmem:v19+s22+$0x0], $0xffff  }
0x48: {  	v19 =	vor.u32 $0x280, v1;
	v7 =	vld.idx.msk [tilespmem:v7+s22+$0x0], $0xffff;
	[tilespmem:s23+$0xFFFFFFC0] =	vst v12  }
0x49: {  	v3 =	vor.u32 $0x380, v3;
	v11 =	vld.idx.msk [tilespmem:v11+s22+$0x0], $0xffff;
	[tilespmem:s23+$0xFFFFFFD0] =	vst v8  }
0x4a: {  	v8 =	vor.u32 $0x280, v2;
	v10 =	vld.idx.msk [tilespmem:v10+s22+$0x0], $0xffff;
	[tilespmem:s23+$0xFFFFFFF0] =	vst v6  }
0x4b: {  	v6 =	vor.u32 $0x280, v4;
	[tilespmem:s23+$0x0] =	vst v9;
	v9 =	vld.idx.msk [tilespmem:v13+s22+$0x0], $0xffff  }
0x4c: {  	v21 =	vor.u32 $0x280, v5;
	[tilespmem:s23+$0x10] =	vst v20;
	v24 =	vld.idx.msk [tilespmem:v14+s22+$0x0], $0xffff  }
0x4d: {  	v20 =	vor.u32 $0x280, v16;
	v25 =	vld.idx.msk [tilespmem:v19+s22+$0x0], $0xffff;
	[tilespmem:s23+$0x160] =	vst v15  }
0x4e: {  	v26 =	vor.u32 $0x280, v17;
	[tilespmem:s23+$0x20] =	vst v7;
	v27 =	vld.idx.msk [tilespmem:v3+s22+$0x0], $0xffff  }
0x4f: {  	v28 =	vor.u32 $0x280, v18;
	v23 =	vld.idx.msk [tilespmem:v8+s22+$0x0], $0xffff;
	[tilespmem:s23+$0x30] =	vst v11  }
0x50: {  	v12 =	vor.u32 $0x300, v5;
	v15 =	vor.u32 $0x300, v1;
	v22 =	vld.idx.msk [tilespmem:v6+s22+$0x0], $0xffff;
	[tilespmem:s23+$0x40] =	vst v10  }
0x51: {  	v5 =	vor.u32 $0x380, v5;
	v13 =	vor.u32 $0x300, v4;
	v14 =	vor.u32 $0x300, v2;
	v19 =	vld.idx.msk [tilespmem:v21+s22+$0x0], $0xffff;
	[tilespmem:s23+$0x50] =	vst v9  }
0x52: {  	s30 =	simm.s32 $0x0;
	s31 =	simm.s32 $0xF4;
	v7 =	vor.u32 $0x380, v2;
	v2 =	vor.u32 $0x380, v17;
	v11 =	vor.u32 $0x300, v16;
	v20 =	vld.idx.msk [tilespmem:v20+s22+$0x0], $0xffff;
	[tilespmem:s23+$0x70] =	vst v24  }
0x53: {  	s29 =	simm.s32 $0x0;
	s28 =	simm.s32 $0x10200;
	s24 =	simm.s32 $0xF81;
	v8 =	vor.u32 $0x380, v1;
	v3 =	vor.u32 $0x380, v16;
	v1 =	vor.u32 $0x380, v18;
	v21 =	vld.idx.msk [tilespmem:v26+s22+$0x0], $0xffff;
	[tilespmem:s23+$0x80] =	vst v25  }
0x54: {  	s25 =	simm.s32 $0xF8;
	s26 =	simm.s32 $0x7C00;
	s21 =	sshll.u32 s20, $0x4;
	v10 =	vor.u32 $0x300, v17;
	v6 =	vor.u32 $0x380, v4;
	v9 =	vor.u32 $0x300, v18;
	v16 =	vld.idx.msk [tilespmem:v28+s22+$0x0], $0xffff;
	[tilespmem:s23+$0x1E0] =	vst v27  }
.LBB2_3:
0x55: {  	s1 =	sadd.s32 $0xFFFFFF9F, s31;
	s0 =	sadd.s32 $0xFFFFFFF0, s31;
	v17 =	vadd.s32 s31, v0;
	s30 =	sadd.s32 $0x8, s30;
	v15 =	vld.idx.msk [tilespmem:v15+s29+$0x0], $0xffff;
	[tilespmem:s23+$0x90] =	vst v23  }
0x56: {  	s7 =	sadd.s32 $0xFFFFFFBF, s31;
	v18 =	vadd.s32 s1, v0;
	s1 =	sadd.s32 $0xFFFFFFAF, s31;
	v4 =	vadd.s32 s0, v0;
	v23 =	vshll.u32 v17, $0x3;
	p0 =	slt.u32 s30, $0xF0;
	v14 =	vld.idx.msk [tilespmem:v14+s29+$0x0], $0xffff;
	[tilespmem:s23+$0xA0] =	vst v22  }
0x57: {  	s0 =	sadd.s32 $0xFFFFFF8F, s31;
	v24 =	vadd.s32 s7, v0;
	s7 =	sadd.s32 $0xFFFFFFE0, s31;
	v22 =	vadd.s32 s1, v0;
	s1 =	sadd.s32 $0xFFFFFFD0, s31;
	v25 =	vshll.u32 v4, $0x3;
	v13 =	vld.idx.msk [tilespmem:v13+s29+$0x0], $0xffff;
	[tilespmem:s23+$0xB0] =	vst v19  }
0x58: {  	v19 =	vadd.s32 s0, v0;
	v4 =	vand.u32 $0x7F, v4;
	v25 =	vand.u32 $0xFFFFFC00, v25;
	v12 =	vld.idx.msk [tilespmem:v12+s29+$0x0], $0xffff;
	[tilespmem:s23+$0xC0] =	vst v20  }
0x59: {  	v26 =	vadd.s32 s7, v0;
	v20 =	vadd.s32 s1, v0;
	v4 =	vor.u32 v4, v25;
	v11 =	vld.idx.msk [tilespmem:v11+s29+$0x0], $0xffff;
	[tilespmem:s23+$0xD0] =	vst v21  }
0x5a: {  	v27 =	vshll.u32 v22, $0x3;
	v21 =	vshll.u32 v19, $0x3;
	v25 =	vshll.u32 v18, $0x3;
	v10 =	vld.idx.msk [tilespmem:v10+s29+$0x0], $0xffff;
	[tilespmem:s23+$0xF0] =	vst v16  }
0x5b: {  	v29 =	vshll.u32 v26, $0x3;
	v28 =	vshll.u32 v20, $0x3;
	v16 =	vshll.u32 v24, $0x3;
	[tilespmem:s23+$0x100] =	vst v15;
	v9 =	vld.idx.msk [tilespmem:v9+s29+$0x0], $0xffff  }
0x5c: {  	v15 =	vand.u32 $0x7FFFFC00, v21;
	v21 =	vand.u32 $0xFFFFFC00, v25;
	v25 =	vand.u32 $0xFFFFFC00, v27;
	v8 =	vld.idx.msk [tilespmem:v8+s29+$0x0], $0xffff;
	[tilespmem:s23+$0x110] =	vst v14  }
0x5d: {  	v27 =	vand.u32 $0xFFFFFC00, v29;
	v14 =	vand.u32 $0xFFFFFC00, v16;
	v16 =	vand.u32 $0xFFFFFC00, v28;
	v7 =	vld.idx.msk [tilespmem:v7+s29+$0x0], $0xffff;
	[tilespmem:s23+$0x120] =	vst v13  }
0x5e: {  	v18 =	vand.u32 $0x7F, v18;
	v13 =	vand.u32 $0x7F, v19;
	v19 =	vand.u32 $0x7F, v22;
	v22 =	vld.idx.msk [tilespmem:v4+s22+$0x0], $0xffff;
	[tilespmem:s23+$0x130] =	vst v12  }
0x5f: {  	v20 =	vand.u32 $0x7F, v20;
	v12 =	vand.u32 $0x7F, v24;
	v24 =	vand.u32 $0x7F, v26;
	v6 =	vld.idx.msk [tilespmem:v6+s29+$0x0], $0xffff;
	[tilespmem:s23+$0x140] =	vst v11  }
0x60: {  	v17 =	vand.u32 $0x7F, v17;
	v23 =	vand.u32 $0xFFFFFC00, v23;
	v11 =	vor.u32 $0x80, v4;
	v5 =	vld.idx.msk [tilespmem:v5+s29+$0x0], $0xffff;
	[tilespmem:s23+$0x150] =	vst v10  }
0x61: {  	v28 =	vor.u32 v18, v21;
	v26 =	vor.u32 v13, v15;
	v25 =	vor.u32 v19, v25;
	[tilespmem:s23+$0x170] =	vst v9  }
0x62: {  	v30 =	vor.u32 v20, v16;
	v29 =	vor.u32 v12, v14;
	v24 =	vor.u32 v24, v27;
	v3 =	vld.idx.msk [tilespmem:v3+s29+$0x0], $0xffff  }
0x63: {  	v23 =	vor.u32 v17, v23;
	v10 =	vor.u32 $0x80, v28;
	v9 =	vor.u32 $0x80, v26;
	s23 =	sadd.s32 $0x400, s23;
	[tilespmem:s28+$0x180] =	vst v8;
	v2 =	vld.idx.msk [tilespmem:v2+s29+$0x0], $0xffff  }
0x64: {  	v31 =	vor.u32 $0x80, v30;
	v27 =	vor.u32 $0x80, v29;
	v8 =	vor.u32 $0x80, v25;
	[tilespmem:s23+$0xFFFFFE60] =	vst v22;
	v1 =	vld.idx.msk [tilespmem:v1+s29+$0x0], $0xffff;
	s29 =	smov.u32 s22  }
0x65: {  	v33 =	vor.u32 $0x80, v23;
	v32 =	vor.u32 $0x80, v24;
	v22 =	vor.u32 $0x100, v26;
	v11 =	vld.idx.msk [tilespmem:v11+s29+$0x0], $0xffff;
	[tilespmem:s28+$0x190] =	vst v7  }
0x66: {  	v34 =	vor.u32 $0x100, v28;
	v35 =	vor.u32 $0x100, v25;
	v36 =	vor.u32 $0x100, v29;
	v7 =	vld.idx.msk [tilespmem:v26+s29+$0x0], $0xffff;
	[tilespmem:s28+$0x1A0] =	vst v6  }
0x67: {  	v37 =	vor.u32 $0x100, v30;
	v12 =	vor.u32 $0x100, v4;
	v38 =	vor.u32 $0x100, v24;
	v6 =	vld.idx.msk [tilespmem:v28+s29+$0x0], $0xffff;
	[tilespmem:s28+$0x1B0] =	vst v5  }
0x68: {  	v41 =	vor.u32 $0x100, v23;
	v40 =	vor.u32 $0x180, v28;
	v39 =	vor.u32 $0x180, v26;
	v5 =	vld.idx.msk [tilespmem:v25+s29+$0x0], $0xffff;
	[tilespmem:s28+$0x1C0] =	vst v3  }
0x69: {  	v44 =	vor.u32 $0x180, v30;
	v42 =	vor.u32 $0x180, v25;
	v43 =	vor.u32 $0x180, v29;
	v3 =	vld.idx.msk [tilespmem:v29+s29+$0x0], $0xffff;
	[tilespmem:s28+$0x1D0] =	vst v2  }
0x6a: {  	v47 =	vor.u32 $0x180, v23;
	v45 =	vor.u32 $0x200, v26;
	v46 =	vor.u32 $0x180, v24;
	v2 =	vld.idx.msk [tilespmem:v30+s29+$0x0], $0xffff;
	[tilespmem:s28+$0x1F0] =	vst v1;
	s28 =	smov.u32 s23  }
0x6b: {  	v48 =	vor.u32 $0x200, v28;
	v49 =	vor.u32 $0x200, v25;
	v50 =	vor.u32 $0x200, v29;
	v1 =	vld.idx.msk [tilespmem:v24+s29+$0x0], $0xffff;
	[tilespmem:s23+$0xFFFFFEE0] =	vst v11  }
0x6c: {  	v54 =	vor.u32 $0x200, v23;
	v51 =	vor.u32 $0x200, v30;
	v52 =	vor.u32 $0x200, v24;
	[tilespmem:s23+$0xFFFFFE00] =	vst v7;
	v53 =	vld.idx.msk [tilespmem:v12+s29+$0x0], $0xffff  }
0x6d: {  	v19 =	vor.u32 $0x280, v28;
	v55 =	vor.u32 $0x280, v26;
	v16 =	vor.u32 $0x280, v25;
	[tilespmem:s23+$0xFFFFFE10] =	vst v6;
	v56 =	vld.idx.msk [tilespmem:v23+s29+$0x0], $0xffff  }
0x6e: {  	v58 =	vor.u32 $0x180, v4;
	v17 =	vor.u32 $0x280, v30;
	v20 =	vor.u32 $0x280, v29;
	v57 =	vld.idx.msk [tilespmem:v9+s29+$0x0], $0xffff;
	[tilespmem:s23+$0xFFFFFE20] =	vst v5  }
0x6f: {  	v18 =	vor.u32 $0x280, v23;
	v15 =	vor.u32 $0x300, v26;
	v21 =	vor.u32 $0x280, v24;
	v59 =	vld.idx.msk [tilespmem:v10+s29+$0x0], $0xffff;
	[tilespmem:s23+$0xFFFFFE30] =	vst v3  }
0x70: {  	v14 =	vor.u32 $0x300, v28;
	v13 =	vor.u32 $0x300, v25;
	v12 =	vor.u32 $0x300, v29;
	v60 =	vld.idx.msk [tilespmem:v8+s29+$0x0], $0xffff;
	[tilespmem:s23+$0xFFFFFE40] =	vst v2  }
0x71: {  	v11 =	vor.u32 $0x300, v30;
	v9 =	vor.u32 $0x300, v23;
	v10 =	vor.u32 $0x300, v24;
	v27 =	vld.idx.msk [tilespmem:v27+s29+$0x0], $0xffff;
	[tilespmem:s23+$0xFFFFFE50] =	vst v1  }
0x72: {  	v7 =	vor.u32 $0x380, v28;
	v6 =	vor.u32 $0x380, v25;
	v8 =	vor.u32 $0x380, v26;
	v25 =	vld.idx.msk [tilespmem:v31+s29+$0x0], $0xffff;
	[tilespmem:s23+$0xFFFFFF60] =	vst v53  }
0x73: {  	v5 =	vor.u32 $0x380, v29;
	v3 =	vor.u32 $0x380, v30;
	v2 =	vor.u32 $0x380, v24;
	v24 =	vld.idx.msk [tilespmem:v58+s29+$0x0], $0xffff;
	[tilespmem:s23+$0xFFFFFE70] =	vst v56  }
0x74: {  	v1 =	vor.u32 $0x380, v23;
	[tilespmem:s23+$0xFFFFFE80] =	vst v57;
	v26 =	vld.idx.msk [tilespmem:v32+s29+$0x0], $0xffff  }
0x75: {  	v23 =	vor.u32 $0x200, v4;
	[tilespmem:s23+$0xFFFFFE90] =	vst v59;
	v28 =	vld.idx.msk [tilespmem:v33+s29+$0x0], $0xffff  }
0x76: {  	v22 =	vld.idx.msk [tilespmem:v22+s29+$0x0], $0xffff;
	[tilespmem:s23+$0xFFFFFEA0] =	vst v60  }
0x77: {  	v29 =	vld.idx.msk [tilespmem:v34+s29+$0x0], $0xffff;
	[tilespmem:s23+$0xFFFFFEB0] =	vst v27  }
0x78: {  	v27 =	vld.idx.msk [tilespmem:v35+s29+$0x0], $0xffff;
	[tilespmem:s23+$0xFFFFFEC0] =	vst v25  }
0x79: {  	v25 =	vld.idx.msk [tilespmem:v36+s29+$0x0], $0xffff;
	[tilespmem:s23+$0xFFFFFFE0] =	vst v24  }
0x7a: {  	[tilespmem:s23+$0xFFFFFED0] =	vst v26;
	v23 =	vld.idx.msk [tilespmem:v23+s29+$0x0], $0xffff  }
0x7b: {  	v24 =	vld.idx.msk [tilespmem:v37+s29+$0x0], $0xffff;
	[tilespmem:s23+$0xFFFFFEF0] =	vst v28  }
0x7c: {  	v26 =	vor.u32 $0x280, v4;
	[tilespmem:s23+$0xFFFFFF00] =	vst v22;
	v22 =	vld.idx.msk [tilespmem:v38+s29+$0x0], $0xffff  }
0x7d: {  	[tilespmem:s23+$0xFFFFFF10] =	vst v29;
	v28 =	vld.idx.msk [tilespmem:v41+s29+$0x0], $0xffff  }
0x7e: {  	v29 =	vld.idx.msk [tilespmem:v39+s29+$0x0], $0xffff;
	[tilespmem:s23+$0xFFFFFF20] =	vst v27  }
0x7f: {  	v27 =	vld.idx.msk [tilespmem:v40+s29+$0x0], $0xffff;
	[tilespmem:s23+$0xFFFFFF30] =	vst v25  }
0x80: {  	v25 =	vld.idx.msk [tilespmem:v42+s29+$0x0], $0xffff;
	[tilespmem:s23+$0x60] =	vst v23  }
0x81: {  	[tilespmem:s23+$0xFFFFFF40] =	vst v24;
	v23 =	vld.idx.msk [tilespmem:v26+s29+$0x0], $0xffff  }
0x82: {  	v24 =	vld.idx.msk [tilespmem:v43+s29+$0x0], $0xffff;
	[tilespmem:s23+$0xFFFFFF50] =	vst v22  }
0x83: {  	v26 =	vor.u32 $0x300, v4;
	v22 =	vld.idx.msk [tilespmem:v44+s29+$0x0], $0xffff;
	[tilespmem:s23+$0xFFFFFF70] =	vst v28  }
0x84: {  	[tilespmem:s23+$0xFFFFFF80] =	vst v29;
	v28 =	vld.idx.msk [tilespmem:v46+s29+$0x0], $0xffff  }
0x85: {  	[tilespmem:s23+$0xFFFFFF90] =	vst v27;
	v27 =	vld.idx.msk [tilespmem:v47+s29+$0x0], $0xffff  }
0x86: {  	v29 =	vld.idx.msk [tilespmem:v45+s29+$0x0], $0xffff;
	[tilespmem:s23+$0xFFFFFFA0] =	vst v25  }
0x87: {  	v25 =	vld.idx.msk [tilespmem:v48+s29+$0x0], $0xffff;
	[tilespmem:s23+$0xE0] =	vst v23  }
0x88: {  	[tilespmem:s23+$0xFFFFFFB0] =	vst v24;
	v23 =	vld.idx.msk [tilespmem:v26+s29+$0x0], $0xffff  }
0x89: {  	v24 =	vld.idx.msk [tilespmem:v49+s29+$0x0], $0xffff;
	[tilespmem:s23+$0xFFFFFFC0] =	vst v22  }
0x8a: {  	v4 =	vor.u32 $0x380, v4;
	v22 =	vld.idx.msk [tilespmem:v50+s29+$0x0], $0xffff;
	[tilespmem:s23+$0xFFFFFFD0] =	vst v28  }
0x8b: {  	v26 =	vld.idx.msk [tilespmem:v51+s29+$0x0], $0xffff;
	[tilespmem:s23+$0xFFFFFFF0] =	vst v27  }
0x8c: {  	[tilespmem:s23+$0x0] =	vst v29;
	v27 =	vld.idx.msk [tilespmem:v52+s29+$0x0], $0xffff  }
0x8d: {  	[tilespmem:s23+$0x10] =	vst v25;
	v25 =	vld.idx.msk [tilespmem:v54+s29+$0x0], $0xffff  }
0x8e: {  	v28 =	vld.idx.msk [tilespmem:v55+s29+$0x0], $0xffff;
	[tilespmem:s23+$0x160] =	vst v23  }
0x8f: {  	[tilespmem:s23+$0x20] =	vst v24;
	v4 =	vld.idx.msk [tilespmem:v4+s29+$0x0], $0xffff  }
0x90: {  	v23 =	vld.idx.msk [tilespmem:v19+s29+$0x0], $0xffff;
	[tilespmem:s23+$0x30] =	vst v22  }
.Ltmp2:
0x91: {  	v22 =	vld.idx.msk [tilespmem:v16+s29+$0x0], $0xffff;
	[tilespmem:s23+$0x40] =	vst v26;
	(pc) =	sbr.rel @p0 .LBB2_3-.Ltmp2, $4  }
0x92: {  	v19 =	vld.idx.msk [tilespmem:v20+s29+$0x0], $0xffff;
	[tilespmem:s23+$0x50] =	vst v27  }
0x93: {  	v20 =	vld.idx.msk [tilespmem:v17+s29+$0x0], $0xffff;
	[tilespmem:s23+$0x70] =	vst v25  }
0x94: {  	[tilespmem:s23+$0x80] =	vst v28;
	v21 =	vld.idx.msk [tilespmem:v21+s29+$0x0], $0xffff  }
0x95: {  	s31 =	sadd.s32 $0x82, s31;
	[tilespmem:s23+$0x1E0] =	vst v4;
	v16 =	vld.idx.msk [tilespmem:v18+s29+$0x0], $0xffff  }
0x96: {  	_ =	sdelay $0x2  }
0x97: {  	[tilespmem:s23+$0x90] =	vst v23  }
0x98: {  	v4 =	vld.idx.msk [tilespmem:v15+s29+$0x0], $0xffff;
	[tilespmem:s23+$0xA0] =	vst v22  }
0x99: {  	v14 =	vld.idx.msk [tilespmem:v14+s29+$0x0], $0xffff;
	[tilespmem:s23+$0xB0] =	vst v19  }
0x9a: {  	v13 =	vld.idx.msk [tilespmem:v13+s29+$0x0], $0xffff;
	[tilespmem:s23+$0xC0] =	vst v20  }
0x9b: {  	v12 =	vld.idx.msk [tilespmem:v12+s29+$0x0], $0xffff;
	[tilespmem:s23+$0xD0] =	vst v21  }
0x9c: {  	v11 =	vld.idx.msk [tilespmem:v11+s29+$0x0], $0xffff;
	[tilespmem:s23+$0xF0] =	vst v16  }
0x9d: {  	v10 =	vld.idx.msk [tilespmem:v10+s29+$0x0], $0xffff;
	[tilespmem:s23+$0x100] =	vst v4  }
0x9e: {  	v62 =	vld.idx.msk [tilespmem:v9+s29+$0x0], $0xffff;
	[tilespmem:s23+$0x110] =	vst v14  }
0x9f: {  	v8 =	vld.idx.msk [tilespmem:v8+s29+$0x0], $0xffff;
	[tilespmem:s23+$0x120] =	vst v13  }
0xa0: {  	v7 =	vld.idx.msk [tilespmem:v7+s29+$0x0], $0xffff;
	[tilespmem:s23+$0x130] =	vst v12  }
0xa1: {  	v6 =	vld.idx.msk [tilespmem:v6+s29+$0x0], $0xffff;
	[tilespmem:s23+$0x140] =	vst v11  }
0xa2: {  	v5 =	vld.idx.msk [tilespmem:v5+s29+$0x0], $0xffff;
	[tilespmem:s23+$0x150] =	vst v10  }
0xa3: {  	v3 =	vld.idx.msk [tilespmem:v3+s29+$0x0], $0xffff;
	[tilespmem:s23+$0x170] =	vst v62  }
0xa4: {  	v2 =	vld.idx.msk [tilespmem:v2+s29+$0x0], $0xffff;
	[tilespmem:s28+$0x180] =	vst v8  }
0xa5: {  	v1 =	vld.idx.msk [tilespmem:v1+s29+$0x0], $0xffff;
	[tilespmem:s28+$0x190] =	vst v7  }
0xa6: {  	[tilespmem:s28+$0x1A0] =	vst v6  }
0xa7: {  	[tilespmem:s28+$0x1B0] =	vst v5  }
0xa8: {  	[tilespmem:s28+$0x1C0] =	vst v3  }
0xa9: {  	[tilespmem:s28+$0x1D0] =	vst v2  }
0xaa: {  	s23 =	simm.s32 $0x7C00;
	[tilespmem:s28+$0x1F0] =	vst v1  }
.LBB2_5:
0xab: {  	s0 =	sshrl.u32 s25, $0x2  }
0xac: {  	s0 =	sadd.s32 s0, s24  }
0xad: {  	v1 =	vadd.s32 s0, v0  }
0xae: {  	v2 =	vshll.u32 v1, $0x3  }
0xaf: {  	v1 =	vand.u32 $0x7F, v1;
	v2 =	vand.u32 $0x7FFFFC00, v2  }
0xb0: {  	v1 =	vor.u32 v1, v2;
	_ =	sdelay $0x4  }
0xb1: {  	v2 =	vld.idx.msk [tilespmem:v1+s3+$0x0], $0xffff  }
0xb2: {  	v3 =	vor.u32 $0x80, v1;
	_ =	sdelay $0x1  }
0xb3: {  	s30 =	sand.u32 $0x3FFFFC00, s26;
	s1 =	sshra.s32 s22, $0x2  }
0xb4: {  	s0 =	sadd.s32 s1, s30  }
0xb5: {  	[tilespmem:s0+$0x10000] =	vst v2  }
0xb6: {  	v2 =	vld.idx.msk [tilespmem:v3+s3+$0x0], $0xffff  }
0xb7: {  	v3 =	vor.u32 $0x100, v1;
	_ =	sdelay $0x2  }
0xb8: {  	s0 =	sadd.s32 $0x10000, s0  }
0xb9: {  	[tilespmem:s0+$0x80] =	vst v2  }
0xba: {  	v2 =	vld.idx.msk [tilespmem:v3+s3+$0x0], $0xffff  }
0xbb: {  	v3 =	vor.u32 $0x180, v1;
	_ =	sdelay $0x3  }
0xbc: {  	[tilespmem:s0+$0x100] =	vst v2  }
0xbd: {  	v2 =	vld.idx.msk [tilespmem:v3+s3+$0x0], $0xffff  }
0xbe: {  	v3 =	vor.u32 $0x200, v1;
	_ =	sdelay $0x3  }
0xbf: {  	[tilespmem:s0+$0x180] =	vst v2  }
0xc0: {  	v2 =	vld.idx.msk [tilespmem:v3+s3+$0x0], $0xffff  }
0xc1: {  	v3 =	vor.u32 $0x280, v1;
	_ =	sdelay $0x3  }
0xc2: {  	[tilespmem:s0+$0x200] =	vst v2  }
0xc3: {  	v2 =	vld.idx.msk [tilespmem:v3+s3+$0x0], $0xffff  }
0xc4: {  	v3 =	vor.u32 $0x300, v1;
	_ =	sdelay $0x3  }
0xc5: {  	[tilespmem:s0+$0x280] =	vst v2  }
0xc6: {  	v2 =	vld.idx.msk [tilespmem:v3+s3+$0x0], $0xffff  }
0xc7: {  	v1 =	vor.u32 $0x380, v1;
	_ =	sdelay $0x3  }
0xc8: {  	[tilespmem:s0+$0x300] =	vst v2  }
0xc9: {  	p0 =	sne.s32 s22, $0xC0;
	v1 =	vld.idx.msk [tilespmem:v1+s3+$0x0], $0xffff  }
.Ltmp3:
0xca: {  	_ = 	snop;
	(pc) =	sbr.rel @p0 .LBB2_5-.Ltmp3, $3  }
0xcb: {  	_ =	sdelay $0x1  }
0xcc: {  	s31 =	sor.u32 $0x380, s23;
	s25 =	sadd.s32 $0x1, s25;
	s23 =	sadd.s32 $0x90, s23  }
0xcd: {  	s26 =	sadd.s32 $0x80, s26;
	s22 =	sadd.s32 $0x40, s22;
	s24 =	sadd.s32 $0x10, s24;
	[tilespmem:s31+$0x10000] =	vst v1  }
0xce: {  	s0 =	sshll.u32 s20, $0xD  }
0xcf: {  	p0 =	seq.s32 s20, $0x7;
	s0 =	sadd.s32 s0, s8  }
0xd0: {  	[hbm4b:s0+s3] =	stream.linear.scatter [tilespmem:s14], [sflag:$0x3], $0x8000, $0x38;
	v63 =	vld [tilespmem:$0x0]  }
0xd1: {  	s7 =	simm.s32 $0x11;
	s0 =	sadd.s32 @!p0 s21, s9  }
0xd2: {  	s25 =	simm.s32 $0x1;
	v1 =	vadd.s32 s7, v0;
	s0 =	sshll.u32 @!p0 s0, $0x9  }
0xd3: {  	s1 =	simm.s32 @!p0 $0x0;
	v3 =	vadd.s32 s25, v0;
	v2 =	vshll.u32 v1, $0x3;
	s0 =	sadd.s32 @!p0 s2, s0  }
0xd4: {  	v1 =	vand.u32 $0x7F, v1;
	v4 =	vshll.u32 v3, $0x3;
	v2 =	vand.u32 $0xFFFFFC00, v2;
	[tilespmem:s1], [sflag:$0x1] =	stream.linear.gather @!p0 [hbm4b:s0+s1], $0x8000, $0x38;
	v63 =	vld [tilespmem:$0x0]  }
0xd5: {  	s26 =	simm.s32 $0x52;
	v1 =	vor.u32 v1, v2;
	v2 =	vand.u32 $0x7F, v3;
	v3 =	vand.u32 $0x7FFFFC00, v4;
	_ =	swait.ge [sflag:s15], $0x8000  }
0xd6: {  	v2 =	vor.u32 v2, v3;
	v3 =	vadd.s32 s26, v0;
	[sflag:s15] =	ssyncset.done $0x0  }
0xd7: {  	s0 =	simm.s32 @!p1 $0x4;
	v4 =	vshll.u32 v3, $0x3;
	[sflag:s15] =	ssyncadd.s32 $0xFFFF8000  }
0xd8: {  	v3 =	vand.u32 $0x7F, v3;
	v4 =	vand.u32 $0xFFFFFC00, v4;
	_ =	swait.ge @!p1 [sflag:s0], $0x8000  }
0xd9: {  	v5 =	vor.u32 v3, v4;
	[sflag:s0] =	ssyncset.done @!p1 $0x0  }
0xda: {  	[sflag:s0] =	ssyncadd.s32 @!p1 $0xFFFF8000  }
0xdb: {  	v6 =	vld.idx.msk [tilespmem:v1+s12+$0x0], $0xffff  }
0xdc: {  	s28 =	simm.s32 $0x31;
	v7 =	vor.u32 $0x80, v1;
	v3 =	vld.idx.msk [tilespmem:v2+s12+$0x0], $0xffff  }
0xdd: {  	v9 =	vor.u32 $0x80, v2;
	v4 =	vadd.s32 s28, v0  }
0xde: {  	v8 =	vshll.u32 v4, $0x3;
	v10 =	vld.idx.msk [tilespmem:v5+s12+$0x0], $0xffff  }
0xdf: {  	s22 =	simm.s32 $0x18200;
	v4 =	vand.u32 $0x7F, v4;
	v12 =	vor.u32 $0x80, v5;
	v8 =	vand.u32 $0xFFFFFC00, v8  }
0xe0: {  	s29 =	simm.s32 $0x72;
	v8 =	vor.u32 v4, v8;
	[tilespmem:s22+$0xFFFFFE10] =	vst v6  }
0xe1: {  	v6 =	vadd.s32 s29, v0;
	[tilespmem:s22+$0xFFFFFE00] =	vst v3;
	v4 =	vld.idx.msk [tilespmem:v7+s12+$0x0], $0xffff  }
0xe2: {  	s30 =	simm.s32 $0x42;
	v3 =	vor.u32 $0x100, v1;
	v7 =	vand.u32 $0x7F, v6;
	v6 =	vshll.u32 v6, $0x3;
	v9 =	vld.idx.msk [tilespmem:v9+s12+$0x0], $0xffff  }
0xe3: {  	v11 =	vadd.s32 s30, v0;
	v14 =	vor.u32 $0x100, v2;
	[tilespmem:s22+$0xFFFFFE50] =	vst v10;
	v6 =	vand.u32 $0xFFFFFC00, v6  }
0xe4: {  	v13 =	vshll.u32 v11, $0x3;
	v15 =	vand.u32 $0x7F, v11;
	v10 =	vld.idx.msk [tilespmem:v12+s12+$0x0], $0xffff;
	v11 =	vor.u32 v7, v6  }
0xe5: {  	v13 =	vand.u32 $0xFFFFFC00, v13;
	v7 =	vld.idx.msk [tilespmem:v8+s12+$0x0], $0xffff  }
0xe6: {  	v6 =	vor.u32 v15, v13;
	v13 =	vor.u32 $0x100, v5;
	[tilespmem:s22+$0xFFFFFE90] =	vst v4  }
0xe7: {  	v4 =	vor.u32 $0x80, v8;
	[tilespmem:s22+$0xFFFFFE80] =	vst v9;
	v3 =	vld.idx.msk [tilespmem:v3+s12+$0x0], $0xffff  }
0xe8: {  	s31 =	simm.s32 $0x62;
	v12 =	vor.u32 $0x180, v1;
	v14 =	vld.idx.msk [tilespmem:v14+s12+$0x0], $0xffff  }
0xe9: {  	v17 =	vor.u32 $0x180, v2;
	v9 =	vadd.s32 s31, v0;
	[tilespmem:s22+$0xFFFFFED0] =	vst v10;
	v16 =	vld.idx.msk [tilespmem:v11+s12+$0x0], $0xffff  }
0xea: {  	v15 =	vshll.u32 v9, $0x3;
	[tilespmem:s22+$0xFFFFFE30] =	vst v7;
	v7 =	vor.u32 $0x80, v11  }
0xeb: {  	v9 =	vand.u32 $0x7F, v9;
	v15 =	vand.u32 $0xFFFFFC00, v15;
	v13 =	vld.idx.msk [tilespmem:v13+s12+$0x0], $0xffff  }
0xec: {  	v9 =	vor.u32 v9, v15;
	v4 =	vld.idx.msk [tilespmem:v4+s12+$0x0], $0xffff;
	[tilespmem:s22+$0xFFFFFF10] =	vst v3  }
0xed: {  	[tilespmem:s22+$0xFFFFFF00] =	vst v14;
	v14 =	vor.u32 $0x180, v5;
	v10 =	vld.idx.msk [tilespmem:v12+s12+$0x0], $0xffff  }
0xee: {  	v12 =	vor.u32 $0x200, v1;
	[tilespmem:s22+$0xFFFFFE70] =	vst v16;
	v15 =	vld.idx.msk [tilespmem:v17+s12+$0x0], $0xffff  }
0xef: {  	s1 =	simm.s32 $0x21;
	v17 =	vor.u32 $0x200, v2;
	v7 =	vld.idx.msk [tilespmem:v7+s12+$0x0], $0xffff  }
0xf0: {  	v18 =	vld.idx.msk [tilespmem:v6+s12+$0x0], $0xffff;
	v3 =	vor.u32 $0x100, v8;
	v16 =	vadd.s32 s1, v0;
	[tilespmem:s22+$0xFFFFFF50] =	vst v13  }
0xf1: {  	v19 =	vshll.u32 v16, $0x3;
	v20 =	vld.idx.msk [tilespmem:v9+s12+$0x0], $0xffff;
	[tilespmem:s22+$0xFFFFFEB0] =	vst v4;
	v4 =	vor.u32 $0x100, v11  }
0xf2: {  	v21 =	vor.u32 $0x80, v9;
	v16 =	vand.u32 $0x7F, v16;
	v19 =	vand.u32 $0xFFFFFC00, v19;
	v14 =	vld.idx.msk [tilespmem:v14+s12+$0x0], $0xffff;
	[tilespmem:s22+$0xFFFFFF90] =	vst v10  }
0xf3: {  	v10 =	vor.u32 v16, v19;
	[tilespmem:s22+$0xFFFFFF80] =	vst v15;
	v12 =	vld.idx.msk [tilespmem:v12+s12+$0x0], $0xffff  }
0xf4: {  	v15 =	vor.u32 $0x200, v5;
	[tilespmem:s22+$0xFFFFFEF0] =	vst v7;
	v7 =	vld.idx.msk [tilespmem:v17+s12+$0x0], $0xffff  }
0xf5: {  	v13 =	vor.u32 $0x280, v1;
	v3 =	vld.idx.msk [tilespmem:v3+s12+$0x0], $0xffff  }
0xf6: {  	v16 =	vor.u32 $0x280, v2;
	[tilespmem:s22+$0xFFFFFE60] =	vst v20;
	v4 =	vld.idx.msk [tilespmem:v4+s12+$0x0], $0xffff  }
0xf7: {  	v17 =	vor.u32 $0x180, v11;
	v19 =	vld.idx.msk [tilespmem:v21+s12+$0x0], $0xffff;
	[tilespmem:s22+$0xFFFFFFD0] =	vst v14  }
0xf8: {  	v20 =	vor.u32 $0x80, v6;
	[tilespmem:s22+$0x10] =	vst v12;
	v12 =	vld.idx.msk [tilespmem:v10+s12+$0x0], $0xffff  }
0xf9: {  	v21 =	vor.u32 $0x80, v10;
	[tilespmem:s22+$0x0] =	vst v7;
	v7 =	vld.idx.msk [tilespmem:v15+s12+$0x0], $0xffff  }
0xfa: {  	[tilespmem:s22+$0xFFFFFE40] =	vst v18;
	v14 =	vor.u32 $0x180, v8;
	v13 =	vld.idx.msk [tilespmem:v13+s12+$0x0], $0xffff  }
0xfb: {  	v15 =	vor.u32 $0x300, v1;
	[tilespmem:s22+$0xFFFFFF70] =	vst v4;
	v4 =	vld.idx.msk [tilespmem:v16+s12+$0x0], $0xffff  }
0xfc: {  	[tilespmem:s22+$0xFFFFFF30] =	vst v3;
	v16 =	vor.u32 $0x300, v2;
	v17 =	vld.idx.msk [tilespmem:v17+s12+$0x0], $0xffff  }
0xfd: {  	v18 =	vor.u32 $0x280, v5;
	[tilespmem:s22+$0xFFFFFE20] =	vst v12;
	v12 =	vld.idx.msk [tilespmem:v20+s12+$0x0], $0xffff  }
0xfe: {  	[tilespmem:s22+$0xFFFFFEE0] =	vst v19;
	v19 =	vor.u32 $0x200, v11;
	v3 =	vld.idx.msk [tilespmem:v21+s12+$0x0], $0xffff  }
0xff: {  	v20 =	vor.u32 $0x100, v9;
	[tilespmem:s22+$0x90] =	vst v13;
	v13 =	vld.idx.msk [tilespmem:v14+s12+$0x0], $0xffff  }
0x100: {  	v14 =	vor.u32 $0x100, v6;
	[tilespmem:s22+$0x80] =	vst v4;
	v4 =	vld.idx.msk [tilespmem:v15+s12+$0x0], $0xffff  }
0x101: {  	[tilespmem:s22+$0x50] =	vst v7;
	v21 =	vor.u32 $0x100, v10;
	v7 =	vld.idx.msk [tilespmem:v16+s12+$0x0], $0xffff  }
0x102: {  	s23 =	simm.s32 $0x93;
	v15 =	vor.u32 $0x200, v8;
	v16 =	vld.idx.msk [tilespmem:v18+s12+$0x0], $0xffff;
	[tilespmem:s22+$0xFFFFFFF0] =	vst v17  }
0x103: {  	s24 =	simm.s32 $0xB3;
	s7 =	simm.s32 $0x83;
	v24 =	vadd.s32 s23, v0;
	v1 =	vor.u32 $0x380, v1;
	v19 =	vld.idx.msk [tilespmem:v19+s12+$0x0], $0xffff  }
0x104: {  	v26 =	vadd.s32 s24, v0;
	v23 =	vadd.s32 s7, v0;
	v2 =	vor.u32 $0x380, v2;
	[tilespmem:s22+$0xFFFFFEC0] =	vst v12;
	v12 =	vld.idx.msk [tilespmem:v20+s12+$0x0], $0xffff  }
0x105: {  	v25 =	vand.u32 $0x7F, v23;
	v22 =	vor.u32 $0x300, v5;
	v18 =	vor.u32 $0x180, v10;
	[tilespmem:s22+$0xFFFFFEA0] =	vst v3;
	v3 =	vld.idx.msk [tilespmem:v14+s12+$0x0], $0xffff  }
0x106: {  	v20 =	vor.u32 $0x180, v6;
	v14 =	vor.u32 $0x180, v9;
	[tilespmem:s22+$0xFFFFFFB0] =	vst v13;
	v13 =	vshll.u32 v24, $0x3;
	v21 =	vld.idx.msk [tilespmem:v21+s12+$0x0], $0xffff  }
0x107: {  	s25 =	simm.s32 $0xD4;
	[tilespmem:s22+$0x110] =	vst v4;
	v15 =	vld.idx.msk [tilespmem:v15+s12+$0x0], $0xffff;
	v4 =	vshll.u32 v23, $0x3;
	v23 =	vand.u32 $0xFFFFFC00, v13;
	v13 =	vshll.u32 v26, $0x3  }
0x108: {  	[tilespmem:s22+$0x100] =	vst v7;
	v27 =	vld.idx.msk [tilespmem:v1+s12+$0x0], $0xffff;
	v1 =	vand.u32 $0xFFFFFC00, v13;
	v7 =	vadd.s32 s25, v0;
	v13 =	vand.u32 $0x7F, v26  }
0x109: {  	[tilespmem:s22+$0xD0] =	vst v16;
	v26 =	vld.idx.msk [tilespmem:v2+s12+$0x0], $0xffff;
	v2 =	vand.u32 $0x7FFFFC00, v4;
	v4 =	vshll.u32 v7, $0x3;
	v1 =	vor.u32 v13, v1  }
0x10a: {  	s26 =	simm.s32 $0xC4;
	v16 =	vld.idx.msk [tilespmem:v22+s12+$0x0], $0xffff;
	v7 =	vand.u32 $0x7F, v7;
	[tilespmem:s22+$0xFFFFFF60] =	vst v12;
	v13 =	vor.u32 v25, v2;
	v2 =	vand.u32 $0xFFFFFC00, v4  }
0x10b: {  	v12 =	vand.u32 $0x7F, v24;
	[tilespmem:s22+$0xFFFFFF40] =	vst v3;
	v4 =	vld.idx.msk [tilespmem:v14+s12+$0x0], $0xffff;
	v3 =	vadd.s32 s26, v0;
	v2 =	vor.u32 v7, v2  }
0x10c: {  	v7 =	vor.u32 v12, v23;
	[tilespmem:s22+$0xFFFFFF20] =	vst v21;
	v14 =	vld.idx.msk [tilespmem:v20+s12+$0x0], $0xffff;
	v20 =	vshll.u32 v3, $0x3  }
0x10d: {  	s28 =	simm.s32 $0xF4;
	v17 =	vor.u32 $0x200, v6;
	[tilespmem:s22+$0x70] =	vst v19;
	v3 =	vand.u32 $0x7F, v3;
	v12 =	vld.idx.msk [tilespmem:v18+s12+$0x0], $0xffff;
	v18 =	vand.u32 $0xFFFFFC00, v20  }
0x10e: {  	[tilespmem:s22+$0x30] =	vst v15;
	v20 =	vadd.s32 s28, v0;
	v21 =	vld.idx.msk [tilespmem:v1+s12+$0x0], $0xffff;
	v3 =	vor.u32 v3, v18  }
0x10f: {  	v18 =	vor.u32 $0x200, v10;
	v22 =	vshll.u32 v20, $0x3;
	[tilespmem:s22+$0x150] =	vst v16;
	v23 =	vld.idx.msk [tilespmem:v13+s12+$0x0], $0xffff  }
0x110: {  	v24 =	vor.u32 $0x280, v11;
	v16 =	vand.u32 $0x7F, v20;
	v20 =	vand.u32 $0xFFFFFC00, v22;
	v22 =	vld.idx.msk [tilespmem:v2+s12+$0x0], $0xffff;
	[tilespmem:s22+$0xFFFFFFE0] =	vst v4  }
0x111: {  	v4 =	vor.u32 v16, v20;
	v16 =	vld.idx.msk [tilespmem:v7+s12+$0x0], $0xffff;
	[tilespmem:s22+$0xFFFFFFC0] =	vst v14  }
0x112: {  	v14 =	vor.u32 $0x80, v1;
	[tilespmem:s22+$0xFFFFFFA0] =	vst v12;
	v12 =	vld.idx.msk [tilespmem:v17+s12+$0x0], $0xffff  }
0x113: {  	s23 =	simm.s32 $0x18600;
	v19 =	vor.u32 $0x80, v2;
	[tilespmem:s22+$0x190] =	vst v27;
	v20 =	vld.idx.msk [tilespmem:v3+s12+$0x0], $0xffff  }
0x114: {  	v17 =	vor.u32 $0x80, v13;
	[tilespmem:s23+$0xFFFFFE30] =	vst v21;
	v18 =	vld.idx.msk [tilespmem:v18+s12+$0x0], $0xffff  }
0x115: {  	v21 =	vor.u32 $0x80, v7;
	[tilespmem:s23+$0xFFFFFE00] =	vst v23;
	v23 =	vld.idx.msk [tilespmem:v24+s12+$0x0], $0xffff  }
0x116: {  	v15 =	vor.u32 $0x280, v6;
	[tilespmem:s23+$0xFFFFFE50] =	vst v22;
	v22 =	vld.idx.msk [tilespmem:v4+s12+$0x0], $0xffff  }
0x117: {  	[tilespmem:s22+$0x180] =	vst v26;
	v24 =	vor.u32 $0x200, v9;
	v14 =	vld.idx.msk [tilespmem:v14+s12+$0x0], $0xffff  }
0x118: {  	[tilespmem:s23+$0xFFFFFE10] =	vst v16;
	v16 =	vor.u32 $0x280, v10;
	v19 =	vld.idx.msk [tilespmem:v19+s12+$0x0], $0xffff  }
0x119: {  	v17 =	vld.idx.msk [tilespmem:v17+s12+$0x0], $0xffff;
	[tilespmem:s22+$0x40] =	vst v12;
	v12 =	vor.u32 $0x300, v11  }
0x11a: {  	v5 =	vor.u32 $0x380, v5;
	[tilespmem:s23+$0xFFFFFE40] =	vst v20;
	v21 =	vld.idx.msk [tilespmem:v21+s12+$0x0], $0xffff  }
0x11b: {  	v20 =	vor.u32 $0x100, v1;
	[tilespmem:s22+$0x20] =	vst v18;
	v15 =	vld.idx.msk [tilespmem:v15+s12+$0x0], $0xffff  }
0x11c: {  	v18 =	vld.idx.msk [tilespmem:v24+s12+$0x0], $0xffff;
	v24 =	vor.u32 $0x100, v7;
	[tilespmem:s22+$0xF0] =	vst v23  }
0x11d: {  	s29 =	simm.s32 $0xE4;
	v25 =	vor.u32 $0x80, v4;
	v16 =	vld.idx.msk [tilespmem:v16+s12+$0x0], $0xffff;
	[tilespmem:s23+$0xFFFFFE70] =	vst v22  }
0x11e: {  	v23 =	vadd.s32 s29, v0;
	[tilespmem:s23+$0xFFFFFEB0] =	vst v14;
	v14 =	vor.u32 $0x280, v8;
	v12 =	vld.idx.msk [tilespmem:v12+s12+$0x0], $0xffff  }
0x11f: {  	v11 =	vor.u32 $0x380, v11;
	v22 =	vld.idx.msk [tilespmem:v5+s12+$0x0], $0xffff;
	v5 =	vshll.u32 v23, $0x3;
	[tilespmem:s23+$0xFFFFFE80] =	vst v17  }
0x120: {  	v5 =	vand.u32 $0xFFFFFC00, v5;
	v17 =	vld.idx.msk [tilespmem:v20+s12+$0x0], $0xffff;
	v20 =	vand.u32 $0x7F, v23;
	v23 =	vor.u32 $0x100, v13;
	[tilespmem:s23+$0xFFFFFE90] =	vst v21  }
0x121: {  	[tilespmem:s23+$0xFFFFFED0] =	vst v19;
	v5 =	vor.u32 v20, v5;
	v20 =	vld.idx.msk [tilespmem:v24+s12+$0x0], $0xffff  }
0x122: {  	v21 =	vld.idx.msk [tilespmem:v25+s12+$0x0], $0xffff;
	[tilespmem:s22+$0x60] =	vst v18;
	v18 =	vor.u32 $0x180, v7  }
0x123: {  	v19 =	vld.idx.msk [tilespmem:v14+s12+$0x0], $0xffff;
	v14 =	vor.u32 $0x300, v6;
	[tilespmem:s22+$0x170] =	vst v12  }
0x124: {  	[tilespmem:s22+$0x1D0] =	vst v22;
	v22 =	vor.u32 $0x100, v4;
	v11 =	vld.idx.msk [tilespmem:v11+s12+$0x0], $0xffff  }
0x125: {  	v12 =	vor.u32 $0x280, v9;
	v23 =	vld.idx.msk [tilespmem:v23+s12+$0x0], $0xffff;
	[tilespmem:s23+$0xFFFFFF30] =	vst v17  }
0x126: {  	v17 =	vor.u32 $0x100, v2;
	v24 =	vld.idx.msk [tilespmem:v5+s12+$0x0], $0xffff;
	[tilespmem:s23+$0xFFFFFF10] =	vst v20  }
0x127: {  	[tilespmem:s22+$0xC0] =	vst v15;
	v15 =	vor.u32 $0x180, v13;
	v18 =	vld.idx.msk [tilespmem:v18+s12+$0x0], $0xffff  }
0x128: {  	[tilespmem:s23+$0xFFFFFEF0] =	vst v21;
	v20 =	vld.idx.msk [tilespmem:v14+s12+$0x0], $0xffff;
	v14 =	vor.u32 $0x80, v5  }
0x129: {  	[tilespmem:s22+$0xA0] =	vst v16;
	v16 =	vor.u32 $0x200, v7;
	v21 =	vld.idx.msk [tilespmem:v22+s12+$0x0], $0xffff  }
0x12a: {  	v6 =	vor.u32 $0x380, v6;
	v12 =	vld.idx.msk [tilespmem:v12+s12+$0x0], $0xffff;
	[tilespmem:s22+$0x1F0] =	vst v11  }
0x12b: {  	[tilespmem:s23+$0xFFFFFF00] =	vst v23;
	v11 =	vld.idx.msk [tilespmem:v17+s12+$0x0], $0xffff;
	v17 =	vor.u32 $0x300, v10  }
0x12c: {  	s30 =	simm.s32 $0xA3;
	v22 =	vor.u32 $0x300, v9;
	v15 =	vld.idx.msk [tilespmem:v15+s12+$0x0], $0xffff;
	[tilespmem:s23+$0xFFFFFE60] =	vst v24  }
0x12d: {  	v23 =	vadd.s32 s30, v0;
	v24 =	vor.u32 $0x180, v2;
	[tilespmem:s23+$0xFFFFFF90] =	vst v18;
	v14 =	vld.idx.msk [tilespmem:v14+s12+$0x0], $0xffff  }
0x12e: {  	v25 =	vor.u32 $0x200, v13;
	[tilespmem:s22+$0x140] =	vst v20;
	v20 =	vshll.u32 v23, $0x3;
	v16 =	vld.idx.msk [tilespmem:v16+s12+$0x0], $0xffff  }
0x12f: {  	[tilespmem:s22+$0xB0] =	vst v19;
	v18 =	vld.idx.msk [tilespmem:v6+s12+$0x0], $0xffff;
	v6 =	vand.u32 $0x7F, v23;
	v20 =	vand.u32 $0xFFFFFC00, v20;
	v23 =	vor.u32 $0x300, v8  }
0x130: {  	[tilespmem:s22+$0xE0] =	vst v12;
	v6 =	vor.u32 v6, v20;
	v12 =	vld.idx.msk [tilespmem:v17+s12+$0x0], $0xffff  }
0x131: {  	v17 =	vor.u32 $0x280, v7;
	[tilespmem:s23+$0xFFFFFF50] =	vst v11;
	v11 =	vld.idx.msk [tilespmem:v22+s12+$0x0], $0xffff  }
0x132: {  	v22 =	vor.u32 $0x80, v3;
	[tilespmem:s23+$0xFFFFFF80] =	vst v15;
	v15 =	vld.idx.msk [tilespmem:v24+s12+$0x0], $0xffff  }
0x133: {  	v10 =	vor.u32 $0x380, v10;
	[tilespmem:s23+$0xFFFFFF70] =	vst v21;
	v20 =	vld.idx.msk [tilespmem:v25+s12+$0x0], $0xffff  }
0x134: {  	v9 =	vor.u32 $0x380, v9;
	[tilespmem:s23+$0x10] =	vst v16;
	v21 =	vld.idx.msk [tilespmem:v23+s12+$0x0], $0xffff  }
0x135: {  	v19 =	vor.u32 $0x200, v2;
	[tilespmem:s22+$0x1C0] =	vst v18;
	v16 =	vld.idx.msk [tilespmem:v6+s12+$0x0], $0xffff  }
0x136: {  	v18 =	vor.u32 $0x280, v13;
	v17 =	vld.idx.msk [tilespmem:v17+s12+$0x0], $0xffff;
	[tilespmem:s22+$0x120] =	vst v12  }
0x137: {  	v8 =	vor.u32 $0x380, v8;
	[tilespmem:s22+$0x160] =	vst v11;
	v23 =	vld.idx.msk [tilespmem:v22+s12+$0x0], $0xffff  }
0x138: {  	v12 =	vor.u32 $0x180, v4;
	v10 =	vld.idx.msk [tilespmem:v10+s12+$0x0], $0xffff;
	[tilespmem:s23+$0xFFFFFFD0] =	vst v15  }
0x139: {  	v24 =	vor.u32 $0x80, v6;
	v26 =	vld.idx.msk [tilespmem:v9+s12+$0x0], $0xffff;
	[tilespmem:s23+$0x0] =	vst v20  }
0x13a: {  	v29 =	vor.u32 $0x300, v7;
	v28 =	vld.idx.msk [tilespmem:v19+s12+$0x0], $0xffff;
	[tilespmem:s22+$0x130] =	vst v21  }
0x13b: {  	v19 =	vor.u32 $0x180, v1;
	v18 =	vld.idx.msk [tilespmem:v18+s12+$0x0], $0xffff;
	[tilespmem:s23+$0xFFFFFE20] =	vst v16  }
0x13c: {  	v27 =	vor.u32 $0x300, v13;
	v21 =	vld.idx.msk [tilespmem:v8+s12+$0x0], $0xffff;
	[tilespmem:s23+$0x90] =	vst v17  }
0x13d: {  	v25 =	vor.u32 $0x100, v5;
	v13 =	vor.u32 $0x380, v13;
	v20 =	vor.u32 $0x280, v2;
	v15 =	vld.idx.msk [tilespmem:v12+s12+$0x0], $0xffff;
	[tilespmem:s22+$0x1A0] =	vst v10  }
0x13e: {  	v11 =	vor.u32 $0x100, v6;
	v9 =	vor.u32 $0x180, v6;
	v12 =	vor.u32 $0x200, v1;
	v24 =	vld.idx.msk [tilespmem:v24+s12+$0x0], $0xffff;
	[tilespmem:s22+$0x1E0] =	vst v26  }
0x13f: {  	s31 =	sadd.s32 s21, s4;
	v8 =	vor.u32 $0x200, v6;
	v16 =	vor.u32 $0x200, v3;
	v26 =	vor.u32 $0x100, v3;
	v22 =	vld.idx.msk [tilespmem:v29+s12+$0x0], $0xffff;
	[tilespmem:s23+$0x50] =	vst v28  }
0x140: {  	s24 =	sadd.s32 $0x8, s31;
	s25 =	simm.s32 $0x8;
	s26 =	simm.s32 $0x176;
	v17 =	vor.u32 $0x200, v4;
	v10 =	vor.u32 $0x300, v2;
	v19 =	vld.idx.msk [tilespmem:v19+s12+$0x0], $0xffff;
	[tilespmem:s23+$0x80] =	vst v18;
	v18 =	vor.u32 $0x180, v3  }
.LBB2_7:
0x141: {  	s0 =	sadd.s32 $0xFFFFFF8F, s26;
	s1 =	sadd.s32 $0xFFFFFF9F, s26;
	s7 =	sadd.s32 $0xFFFFFFF0, s26;
	v28 =	vadd.s32 s26, v0;
	v27 =	vld.idx.msk [tilespmem:v27+s12+$0x0], $0xffff;
	v7 =	vor.u32 $0x380, v7;
	v29 =	vor.u32 $0x180, v5;
	[tilespmem:s22+$0x1B0] =	vst v21  }
0x142: {  	s25 =	sadd.s32 $0x8, s25;
	s22 =	smov.u32 s23;
	v21 =	vadd.s32 s0, v0;
	v30 =	vadd.s32 s1, v0;
	s0 =	sadd.s32 $0xFFFFFFAF, s26;
	v31 =	vand.u32 $0x7F, v28;
	v20 =	vld.idx.msk [tilespmem:v20+s12+$0x0], $0xffff;
	[tilespmem:s23+$0xFFFFFEE0] =	vst v14  }
0x143: {  	v33 =	vadd.s32 s7, v0;
	p1 =	slt.u32 s25, $0xF0;
	v14 =	vshll.u32 v30, $0x3;
	v32 =	vadd.s32 s0, v0;
	s0 =	sadd.s32 $0xFFFFFFD0, s26;
	[tilespmem:s23+$0xFFFFFEC0] =	vst v23;
	v23 =	vld.idx.msk [tilespmem:v25+s12+$0x0], $0xffff  }
0x144: {  	s1 =	sadd.s32 $0xFFFFFFBF, s26;
	v25 =	vand.u32 $0x7F, v21;
	v21 =	vshll.u32 v21, $0x3;
	v34 =	vand.u32 $0x7F, v33;
	[tilespmem:s23+$0xFFFFFEA0] =	vst v24;
	v24 =	vld.idx.msk [tilespmem:v26+s12+$0x0], $0xffff  }
0x145: {  	v14 =	vand.u32 $0xFFFFFC00, v14;
	v26 =	vadd.s32 s1, v0;
	v35 =	vadd.s32 s0, v0;
	v11 =	vld.idx.msk [tilespmem:v11+s12+$0x0], $0xffff;
	[tilespmem:s23+$0xFFFFFFB0] =	vst v19  }
0x146: {  	v33 =	vshll.u32 v33, $0x3;
	s0 =	sadd.s32 $0xFFFFFFE0, s26;
	v19 =	vand.u32 $0x7FFFFC00, v21;
	v21 =	vshll.u32 v26, $0x3;
	[tilespmem:s23+$0x110] =	vst v22;
	v12 =	vld.idx.msk [tilespmem:v12+s12+$0x0], $0xffff  }
0x147: {  	v28 =	vshll.u32 v28, $0x3;
	v21 =	vand.u32 $0xFFFFFC00, v21;
	v22 =	vadd.s32 s0, v0;
	[tilespmem:s23+$0x100] =	vst v27;
	v27 =	vld.idx.msk [tilespmem:v7+s12+$0x0], $0xffff  }
0x148: {  	v33 =	vand.u32 $0xFFFFFC00, v33;
	v7 =	vand.u32 $0x7F, v26;
	v26 =	vshll.u32 v22, $0x3;
	v36 =	vld.idx.msk [tilespmem:v13+s12+$0x0], $0xffff;
	[tilespmem:s23+$0xD0] =	vst v20  }
0x149: {  	v20 =	vshll.u32 v32, $0x3;
	v13 =	vor.u32 v7, v21;
	v7 =	vand.u32 $0x7F, v22;
	v21 =	vld.idx.msk [tilespmem:v10+s12+$0x0], $0xffff;
	[tilespmem:s23+$0xFFFFFF60] =	vst v23  }
0x14a: {  	v22 =	vand.u32 $0xFFFFFC00, v26;
	v10 =	vor.u32 v25, v19;
	v19 =	vshll.u32 v35, $0x3;
	[tilespmem:s23+$0xFFFFFF40] =	vst v24;
	v23 =	vld.idx.msk [tilespmem:v29+s12+$0x0], $0xffff  }
0x14b: {  	v22 =	vor.u32 v7, v22;
	v24 =	vand.u32 $0x7F, v30;
	v19 =	vand.u32 $0xFFFFFC00, v19;
	[tilespmem:s23+$0xFFFFFF20] =	vst v11;
	v11 =	vld.idx.msk [tilespmem:v18+s12+$0x0], $0xffff  }
0x14c: {  	v7 =	vor.u32 v24, v14;
	v14 =	vand.u32 $0x7F, v32;
	v18 =	vand.u32 $0xFFFFFC00, v20;
	v9 =	vld.idx.msk [tilespmem:v9+s12+$0x0], $0xffff;
	[tilespmem:s23+$0xFFFFFFF0] =	vst v15  }
0x14d: {  	v15 =	vor.u32 v14, v18;
	v14 =	vand.u32 $0x7F, v35;
	v18 =	vand.u32 $0xFFFFFC00, v28;
	[tilespmem:s23+$0x190] =	vst v27;
	v20 =	vld.idx.msk [tilespmem:v17+s12+$0x0], $0xffff  }
0x14e: {  	v14 =	vor.u32 v14, v19;
	v19 =	vor.u32 v31, v18;
	s23 =	sadd.s32 $0x400, s23;
	v24 =	vld.idx.msk [tilespmem:v13+s12+$0x0], $0xffff;
	[tilespmem:s22+$0x180] =	vst v36  }
0x14f: {  	v17 =	vor.u32 v34, v33;
	v18 =	vld.idx.msk [tilespmem:v10+s12+$0x0], $0xffff;
	[tilespmem:s22+$0x150] =	vst v21  }
0x150: {  	v21 =	vor.u32 $0x80, v13;
	v25 =	vld.idx.msk [tilespmem:v22+s12+$0x0], $0xffff;
	[tilespmem:s22+$0xFFFFFFE0] =	vst v23;
	v23 =	vor.u32 $0x280, v4  }
0x151: {  	v26 =	vor.u32 $0x80, v10;
	v27 =	vld.idx.msk [tilespmem:v7+s12+$0x0], $0xffff;
	[tilespmem:s22+$0xFFFFFFC0] =	vst v11  }
0x152: {  	v11 =	vor.u32 $0x80, v22;
	[tilespmem:s22+$0xFFFFFFA0] =	vst v9;
	v9 =	vld.idx.msk [tilespmem:v16+s12+$0x0], $0xffff  }
0x153: {  	v28 =	vor.u32 $0x80, v7;
	v29 =	vld.idx.msk [tilespmem:v14+s12+$0x0], $0xffff;
	[tilespmem:s22+$0x70] =	vst v20  }
0x154: {  	v16 =	vor.u32 $0x80, v15;
	[tilespmem:s23+$0xFFFFFE30] =	vst v24;
	v8 =	vld.idx.msk [tilespmem:v8+s12+$0x0], $0xffff  }
0x155: {  	[tilespmem:s23+$0xFFFFFE00] =	vst v18;
	v18 =	vld.idx.msk [tilespmem:v23+s12+$0x0], $0xffff  }
0x156: {  	v23 =	vor.u32 $0x200, v5;
	[tilespmem:s23+$0xFFFFFE50] =	vst v25;
	v20 =	vld.idx.msk [tilespmem:v19+s12+$0x0], $0xffff  }
0x157: {  	v24 =	vor.u32 $0x100, v13;
	v25 =	vor.u32 $0x280, v6;
	[tilespmem:s23+$0xFFFFFE10] =	vst v27;
	v21 =	vld.idx.msk [tilespmem:v21+s12+$0x0], $0xffff  }
0x158: {  	v27 =	vor.u32 $0x100, v10;
	v26 =	vld.idx.msk [tilespmem:v26+s12+$0x0], $0xffff;
	[tilespmem:s22+$0x40] =	vst v9;
	v9 =	vor.u32 $0x300, v4  }
0x159: {  	v30 =	vor.u32 $0x100, v22;
	v31 =	vor.u32 $0x380, v2;
	v2 =	vmov v22;
	[tilespmem:s23+$0xFFFFFE40] =	vst v29;
	v29 =	vld.idx.msk [tilespmem:v11+s12+$0x0], $0xffff  }
0x15a: {  	v22 =	vld.idx.msk [tilespmem:v28+s12+$0x0], $0xffff;
	v28 =	vor.u32 $0x100, v7;
	[tilespmem:s22+$0x30] =	vst v12  }
0x15b: {  	v11 =	vor.u32 $0x100, v15;
	[tilespmem:s22+$0x20] =	vst v8;
	v8 =	vor.u32 $0x280, v3;
	v12 =	vld.idx.msk [tilespmem:v23+s12+$0x0], $0xffff  }
0x15c: {  	v23 =	vld.idx.msk [tilespmem:v25+s12+$0x0], $0xffff;
	[tilespmem:s22+$0xF0] =	vst v18  }
0x15d: {  	v25 =	vor.u32 $0x280, v1;
	[tilespmem:s23+$0xFFFFFEB0] =	vst v21;
	v21 =	vor.u32 $0x80, v19;
	v32 =	vld.idx.msk [tilespmem:v9+s12+$0x0], $0xffff  }
0x15e: {  	v18 =	vor.u32 $0x180, v13;
	[tilespmem:s23+$0xFFFFFE70] =	vst v20;
	v20 =	vld.idx.msk [tilespmem:v31+s12+$0x0], $0xffff  }
0x15f: {  	v31 =	vor.u32 $0x380, v4;
	v4 =	vmov v19;
	[tilespmem:s23+$0xFFFFFE80] =	vst v26;
	v26 =	vor.u32 $0x180, v10;
	v24 =	vld.idx.msk [tilespmem:v24+s12+$0x0], $0xffff  }
0x160: {  	v19 =	vor.u32 $0x180, v2;
	[tilespmem:s23+$0xFFFFFE90] =	vst v22;
	v8 =	vld.idx.msk [tilespmem:v8+s12+$0x0], $0xffff  }
0x161: {  	v22 =	vld.idx.msk [tilespmem:v28+s12+$0x0], $0xffff;
	v28 =	vor.u32 $0x180, v7;
	[tilespmem:s23+$0xFFFFFED0] =	vst v29  }
0x162: {  	v9 =	vor.u32 $0x180, v15;
	v29 =	vor.u32 $0x300, v3;
	v25 =	vld.idx.msk [tilespmem:v25+s12+$0x0], $0xffff;
	[tilespmem:s22+$0x60] =	vst v12  }
0x163: {  	v21 =	vld.idx.msk [tilespmem:v21+s12+$0x0], $0xffff;
	[tilespmem:s22+$0x170] =	vst v32  }
0x164: {  	v32 =	vor.u32 $0x100, v4;
	[tilespmem:s22+$0x1D0] =	vst v20;
	v20 =	vor.u32 $0x280, v5;
	v31 =	vld.idx.msk [tilespmem:v31+s12+$0x0], $0xffff  }
0x165: {  	v12 =	vor.u32 $0x200, v13;
	v27 =	vld.idx.msk [tilespmem:v27+s12+$0x0], $0xffff;
	[tilespmem:s23+$0xFFFFFF30] =	vst v24  }
0x166: {  	v24 =	vor.u32 $0x200, v10;
	v33 =	vld.idx.msk [tilespmem:v17+s12+$0x0], $0xffff;
	[tilespmem:s22+$0xC0] =	vst v8  }
0x167: {  	[tilespmem:s23+$0xFFFFFF10] =	vst v22;
	v22 =	vor.u32 $0x200, v2;
	v29 =	vld.idx.msk [tilespmem:v29+s12+$0x0], $0xffff  }
0x168: {  	v34 =	vor.u32 $0x200, v7;
	v35 =	vor.u32 $0x80, v17;
	v28 =	vld.idx.msk [tilespmem:v28+s12+$0x0], $0xffff;
	[tilespmem:s22+$0xA0] =	vst v23  }
0x169: {  	v8 =	vor.u32 $0x200, v15;
	[tilespmem:s23+$0xFFFFFEF0] =	vst v21;
	v21 =	vor.u32 $0x380, v3;
	v20 =	vld.idx.msk [tilespmem:v20+s12+$0x0], $0xffff;
	v3 =	vmov v14  }
0x16a: {  	v23 =	vld.idx.msk [tilespmem:v32+s12+$0x0], $0xffff;
	[tilespmem:s22+$0x1F0] =	vst v31  }
0x16b: {  	v31 =	vor.u32 $0x300, v6;
	[tilespmem:s23+$0xFFFFFF00] =	vst v27;
	v27 =	vld.idx.msk [tilespmem:v30+s12+$0x0], $0xffff;
	v30 =	vor.u32 $0x180, v4  }
0x16c: {  	v32 =	vor.u32 $0x300, v5;
	v26 =	vld.idx.msk [tilespmem:v26+s12+$0x0], $0xffff;
	[tilespmem:s23+$0xFFFFFE60] =	vst v33  }
0x16d: {  	v14 =	vld.idx.msk [tilespmem:v35+s12+$0x0], $0xffff;
	[tilespmem:s22+$0x140] =	vst v29  }
0x16e: {  	[tilespmem:s23+$0xFFFFFF90] =	vst v28;
	v21 =	vld.idx.msk [tilespmem:v21+s12+$0x0], $0xffff  }
0x16f: {  	v29 =	vor.u32 $0x300, v1;
	v28 =	vld.idx.msk [tilespmem:v34+s12+$0x0], $0xffff;
	[tilespmem:s22+$0xE0] =	vst v20  }
0x170: {  	[tilespmem:s23+$0xFFFFFF70] =	vst v23;
	v20 =	vld.idx.msk [tilespmem:v31+s12+$0x0], $0xffff  }
0x171: {  	v23 =	vor.u32 $0x280, v7;
	[tilespmem:s23+$0xFFFFFF50] =	vst v27;
	v27 =	vld.idx.msk [tilespmem:v32+s12+$0x0], $0xffff  }
0x172: {  	[tilespmem:s23+$0xFFFFFF80] =	vst v26;
	v19 =	vld.idx.msk [tilespmem:v19+s12+$0x0], $0xffff;
	v26 =	vor.u32 $0x380, v6;
	v6 =	vmov v15  }
0x173: {  	v24 =	vld.idx.msk [tilespmem:v24+s12+$0x0], $0xffff;
	[tilespmem:s22+$0xB0] =	vst v25;
	v25 =	vor.u32 $0x380, v5;
	v5 =	vmov v17  }
0x174: {  	v17 =	vld.idx.msk [tilespmem:v29+s12+$0x0], $0xffff;
	[tilespmem:s22+$0x1C0] =	vst v21  }
0x175: {  	v21 =	vor.u32 $0x280, v10;
	[tilespmem:s23+$0x10] =	vst v28;
	v15 =	vld.idx.msk [tilespmem:v15+s12+$0x0], $0xffff  }
0x176: {  	v23 =	vld.idx.msk [tilespmem:v23+s12+$0x0], $0xffff;
	[tilespmem:s22+$0x120] =	vst v20;
	v20 =	vor.u32 $0x380, v1;
	v1 =	vmov v13  }
0x177: {  	v13 =	vld.idx.msk [tilespmem:v26+s12+$0x0], $0xffff;
	[tilespmem:s22+$0x160] =	vst v27  }
0x178: {  	v26 =	vor.u32 $0x80, v3;
	[tilespmem:s23+$0xFFFFFFD0] =	vst v19;
	v19 =	vld.idx.msk [tilespmem:v25+s12+$0x0], $0xffff  }
0x179: {  	[tilespmem:s23+$0x0] =	vst v24;
	v22 =	vld.idx.msk [tilespmem:v22+s12+$0x0], $0xffff  }
0x17a: {  	v28 =	vld.idx.msk [tilespmem:v21+s12+$0x0], $0xffff;
	[tilespmem:s22+$0x130] =	vst v17  }
0x17b: {  	v29 =	vor.u32 $0x300, v7;
	[tilespmem:s23+$0xFFFFFE20] =	vst v15;
	v21 =	vld.idx.msk [tilespmem:v20+s12+$0x0], $0xffff  }
.Ltmp4:
0x17c: {  	v27 =	vor.u32 $0x300, v10;
	[tilespmem:s23+$0x90] =	vst v23;
	v15 =	vld.idx.msk [tilespmem:v30+s12+$0x0], $0xffff;
	(pc) =	sbr.rel @p1 .LBB2_7-.Ltmp4, $4  }
0x17d: {  	v20 =	vor.u32 $0x280, v2;
	v23 =	vld.idx.msk [tilespmem:v26+s12+$0x0], $0xffff;
	[tilespmem:s22+$0x1A0] =	vst v13  }
0x17e: {  	v25 =	vor.u32 $0x100, v5;
	v24 =	vld.idx.msk [tilespmem:v16+s12+$0x0], $0xffff;
	[tilespmem:s22+$0x1E0] =	vst v19  }
0x17f: {  	v17 =	vor.u32 $0x200, v4;
	v26 =	vor.u32 $0x100, v3;
	v16 =	vor.u32 $0x200, v3;
	v19 =	vld.idx.msk [tilespmem:v18+s12+$0x0], $0xffff;
	[tilespmem:s23+$0x50] =	vst v22  }
0x180: {  	s26 =	sadd.s32 $0x82, s26;
	v13 =	vor.u32 $0x380, v10;
	v10 =	vor.u32 $0x300, v2;
	v18 =	vor.u32 $0x180, v3;
	[tilespmem:s23+$0x80] =	vst v28;
	v22 =	vld.idx.msk [tilespmem:v29+s12+$0x0], $0xffff  }
0x181: {  	_ =	sdelay $0x2  }
0x182: {  	[tilespmem:s23+$0xFFFFFEE0] =	vst v14  }
0x183: {  	[tilespmem:s23+$0xFFFFFEC0] =	vst v23;
	v14 =	vld.idx.msk [tilespmem:v25+s12+$0x0], $0xffff  }
0x184: {  	v37 =	vor.u32 $0x180, v5;
	[tilespmem:s23+$0xFFFFFEA0] =	vst v24;
	v23 =	vld.idx.msk [tilespmem:v26+s12+$0x0], $0xffff  }
0x185: {  	[tilespmem:s22+$0x1B0] =	vst v21;
	v11 =	vld.idx.msk [tilespmem:v11+s12+$0x0], $0xffff  }
0x186: {  	[tilespmem:s23+$0xFFFFFFF0] =	vst v15  }
0x187: {  	v38 =	vld.idx.msk [tilespmem:v27+s12+$0x0], $0xffff;
	[tilespmem:s23+$0xFFFFFFB0] =	vst v19  }
0x188: {  	v40 =	vld.idx.msk [tilespmem:v20+s12+$0x0], $0xffff;
	[tilespmem:s23+$0xFFFFFF60] =	vst v14  }
0x189: {  	v7 =	vor.u32 $0x380, v7;
	[tilespmem:s23+$0xFFFFFF40] =	vst v23;
	v14 =	vld.idx.msk [tilespmem:v37+s12+$0x0], $0xffff  }
0x18a: {  	v41 =	vor.u32 $0x200, v5;
	[tilespmem:s23+$0xFFFFFF20] =	vst v11;
	v39 =	vld.idx.msk [tilespmem:v18+s12+$0x0], $0xffff  }
0x18b: {  	[tilespmem:s23+$0x110] =	vst v22;
	v9 =	vld.idx.msk [tilespmem:v9+s12+$0x0], $0xffff  }
0x18c: {  	v15 =	vld.idx.msk [tilespmem:v17+s12+$0x0], $0xffff;
	[tilespmem:s23+$0x100] =	vst v38  }
0x18d: {  	v12 =	vld.idx.msk [tilespmem:v12+s12+$0x0], $0xffff;
	[tilespmem:s23+$0xD0] =	vst v40  }
0x18e: {  	v42 =	vor.u32 $0x280, v4;
	v7 =	vld.idx.msk [tilespmem:v7+s12+$0x0], $0xffff;
	[tilespmem:s23+$0xFFFFFFE0] =	vst v14  }
0x18f: {  	v48 =	vor.u32 $0x280, v1;
	[tilespmem:s23+$0xFFFFFFC0] =	vst v39;
	v46 =	vld.idx.msk [tilespmem:v41+s12+$0x0], $0xffff  }
0x190: {  	v47 =	vor.u32 $0x280, v5;
	[tilespmem:s23+$0xFFFFFFA0] =	vst v9;
	v43 =	vld.idx.msk [tilespmem:v16+s12+$0x0], $0xffff  }
0x191: {  	v44 =	vor.u32 $0x280, v3;
	[tilespmem:s23+$0x70] =	vst v15;
	v8 =	vld.idx.msk [tilespmem:v8+s12+$0x0], $0xffff  }
0x192: {  	v45 =	vor.u32 $0x280, v6;
	v13 =	vld.idx.msk [tilespmem:v13+s12+$0x0], $0xffff;
	[tilespmem:s23+$0x30] =	vst v12  }
0x193: {  	v11 =	vld.idx.msk [tilespmem:v42+s12+$0x0], $0xffff;
	[tilespmem:s23+$0x190] =	vst v7  }
0x194: {  	v49 =	vor.u32 $0x300, v4;
	v54 =	vld.idx.msk [tilespmem:v48+s12+$0x0], $0xffff;
	[tilespmem:s23+$0x60] =	vst v46  }
0x195: {  	v56 =	vor.u32 $0x300, v1;
	[tilespmem:s23+$0x40] =	vst v43;
	v7 =	vld.idx.msk [tilespmem:v47+s12+$0x0], $0xffff  }
0x196: {  	v55 =	vor.u32 $0x300, v5;
	[tilespmem:s23+$0x20] =	vst v8;
	v50 =	vld.idx.msk [tilespmem:v44+s12+$0x0], $0xffff  }
0x197: {  	v52 =	vor.u32 $0x300, v3;
	[tilespmem:s23+$0x180] =	vst v13;
	v51 =	vld.idx.msk [tilespmem:v45+s12+$0x0], $0xffff  }
0x198: {  	v53 =	vor.u32 $0x300, v6;
	v10 =	vld.idx.msk [tilespmem:v10+s12+$0x0], $0xffff;
	[tilespmem:s23+$0xF0] =	vst v11  }
0x199: {  	v2 =	vor.u32 $0x380, v2;
	v9 =	vld.idx.msk [tilespmem:v49+s12+$0x0], $0xffff;
	[tilespmem:s23+$0xB0] =	vst v54  }
0x19a: {  	v57 =	vor.u32 $0x380, v4;
	v62 =	vld.idx.msk [tilespmem:v56+s12+$0x0], $0xffff;
	[tilespmem:s23+$0xE0] =	vst v7  }
0x19b: {  	v1 =	vor.u32 $0x380, v1;
	[tilespmem:s23+$0xC0] =	vst v50;
	v59 =	vld.idx.msk [tilespmem:v55+s12+$0x0], $0xffff  }
0x19c: {  	v61 =	vor.u32 $0x380, v5;
	v8 =	vld.idx.msk [tilespmem:v52+s12+$0x0], $0xffff;
	[tilespmem:s23+$0xA0] =	vst v51  }
0x19d: {  	v3 =	vor.u32 $0x380, v3;
	[tilespmem:s23+$0x150] =	vst v10;
	v58 =	vld.idx.msk [tilespmem:v53+s12+$0x0], $0xffff  }
0x19e: {  	v60 =	vor.u32 $0x380, v6;
	v2 =	vld.idx.msk [tilespmem:v2+s12+$0x0], $0xffff;
	[tilespmem:s23+$0x170] =	vst v9  }
0x19f: {  	v4 =	vld.idx.msk [tilespmem:v57+s12+$0x0], $0xffff;
	[tilespmem:s23+$0x130] =	vst v62  }
0x1a0: {  	v1 =	vld.idx.msk [tilespmem:v1+s12+$0x0], $0xffff;
	[tilespmem:s23+$0x160] =	vst v59  }
0x1a1: {  	[tilespmem:s23+$0x140] =	vst v8;
	v5 =	vld.idx.msk [tilespmem:v61+s12+$0x0], $0xffff  }
0x1a2: {  	v3 =	vld.idx.msk [tilespmem:v3+s12+$0x0], $0xffff;
	[tilespmem:s23+$0x120] =	vst v58  }
0x1a3: {  	[tilespmem:s23+$0x1D0] =	vst v2;
	v6 =	vld.idx.msk [tilespmem:v60+s12+$0x0], $0xffff  }
0x1a4: {  	[tilespmem:s23+$0x1F0] =	vst v4  }
0x1a5: {  	[tilespmem:s23+$0x1B0] =	vst v1  }
0x1a6: {  	[tilespmem:s23+$0x1E0] =	vst v5  }
0x1a7: {  	s22 =	simm.s32 $0x7C00;
	s25 =	simm.s32 $0xF81;
	[tilespmem:s23+$0x1C0] =	vst v3  }
0x1a8: {  	s26 =	simm.s32 $0xF8;
	s28 =	simm.s32 $0x0;
	[tilespmem:s23+$0x1A0] =	vst v6;
	s23 =	simm.s32 $0x7C00  }
.LBB2_9:
0x1a9: {  	s0 =	sshrl.u32 s26, $0x2  }
0x1aa: {  	s0 =	sadd.s32 s0, s25  }
0x1ab: {  	v1 =	vadd.s32 s0, v0  }
0x1ac: {  	v2 =	vshll.u32 v1, $0x3  }
0x1ad: {  	v1 =	vand.u32 $0x7F, v1;
	v2 =	vand.u32 $0x7FFFFC00, v2  }
0x1ae: {  	v1 =	vor.u32 v1, v2;
	_ =	sdelay $0x4  }
0x1af: {  	v2 =	vld.idx.msk [tilespmem:v1+s12+$0x0], $0xffff  }
0x1b0: {  	v3 =	vor.u32 $0x80, v1;
	_ =	sdelay $0x1  }
0x1b1: {  	s30 =	sand.u32 $0x3FFFFC00, s22;
	s1 =	sshra.s32 s28, $0x2  }
0x1b2: {  	s0 =	sadd.s32 s1, s30  }
0x1b3: {  	[tilespmem:s0+$0x18000] =	vst v2  }
0x1b4: {  	v2 =	vld.idx.msk [tilespmem:v3+s12+$0x0], $0xffff  }
0x1b5: {  	v3 =	vor.u32 $0x100, v1;
	_ =	sdelay $0x2  }
0x1b6: {  	s0 =	sadd.s32 $0x18000, s0  }
0x1b7: {  	[tilespmem:s0+$0x80] =	vst v2  }
0x1b8: {  	v2 =	vld.idx.msk [tilespmem:v3+s12+$0x0], $0xffff  }
0x1b9: {  	v3 =	vor.u32 $0x180, v1;
	_ =	sdelay $0x3  }
0x1ba: {  	[tilespmem:s0+$0x100] =	vst v2  }
0x1bb: {  	v2 =	vld.idx.msk [tilespmem:v3+s12+$0x0], $0xffff  }
0x1bc: {  	v3 =	vor.u32 $0x200, v1;
	_ =	sdelay $0x3  }
0x1bd: {  	[tilespmem:s0+$0x180] =	vst v2  }
0x1be: {  	v2 =	vld.idx.msk [tilespmem:v3+s12+$0x0], $0xffff  }
0x1bf: {  	v3 =	vor.u32 $0x280, v1;
	_ =	sdelay $0x3  }
0x1c0: {  	[tilespmem:s0+$0x200] =	vst v2  }
0x1c1: {  	v2 =	vld.idx.msk [tilespmem:v3+s12+$0x0], $0xffff  }
0x1c2: {  	v3 =	vor.u32 $0x300, v1;
	_ =	sdelay $0x3  }
0x1c3: {  	[tilespmem:s0+$0x280] =	vst v2  }
0x1c4: {  	v2 =	vld.idx.msk [tilespmem:v3+s12+$0x0], $0xffff  }
0x1c5: {  	v1 =	vor.u32 $0x380, v1;
	_ =	sdelay $0x3  }
0x1c6: {  	[tilespmem:s0+$0x300] =	vst v2  }
0x1c7: {  	p1 =	sne.s32 s28, $0xC0;
	v1 =	vld.idx.msk [tilespmem:v1+s12+$0x0], $0xffff  }
.Ltmp5:
0x1c8: {  	_ = 	snop;
	(pc) =	sbr.rel @p1 .LBB2_9-.Ltmp5, $3  }
0x1c9: {  	_ =	sdelay $0x1  }
0x1ca: {  	s31 =	sor.u32 $0x380, s23;
	s26 =	sadd.s32 $0x1, s26;
	s23 =	sadd.s32 $0x90, s23  }
0x1cb: {  	s22 =	sadd.s32 $0x80, s22;
	s28 =	sadd.s32 $0x40, s28;
	s25 =	sadd.s32 $0x10, s25;
	[tilespmem:s31+$0x18000] =	vst v1  }
.Ltmp6:
0x1cc: {  	(pc) =	sbr.rel @p0 .LBB2_12-.Ltmp6, $4  }
0x1cd: {  	_ = 	snop  }
0x1ce: {  	s0 =	sshll.u32 s24, $0x9  }
0x1cf: {  	s0 =	sadd.s32 s6, s0  }
0x1d0: {  	[hbm4b:s0+s3] =	stream.linear.scatter [tilespmem:s16], [sflag:$0x4], $0x8000, $0x38;
	v63 =	vld [tilespmem:$0x0]  }
.Ltmp7:
0x1d1: {  	(pc) =	sbr.rel .LBB2_2-.Ltmp7, $4  }
0x1d2: {  	s0 =	sadd.s32 s21, s10  }
0x1d3: {  	s0 =	sshll.u32 s0, $0x9  }
0x1d4: {  	s20 =	sadd.s32 $0x1, s20;
	s0 =	sadd.s32 s2, s0  }
0x1d5: {  	[tilespmem:s12], [sflag:$0x2] =	stream.linear.gather [hbm4b:s0+s3], $0x8000, $0x38;
	v63 =	vld [tilespmem:$0x0]  }
.LBB2_13:
0x1d6: {  	_ =	sfence.sel $0x180000  }
0x1d7: {  	[bflag:$0x0] =	sbarrier.arrive $0xFFFF  }
0x1d8: {  	_ =	strace $0x90000047  }
0x1d9: {  	s0 =	stileid.u32;
	[bflag:$0x2] =	sbarrier.arrive $0xFFFF  }
0x1da: {  	p0 =	sne.s32 s0, $0x0;
	s0 =	rddreg [dreg:$0x2]  }
0x1db: {  	s0 =	sadd.s32 @!p0 $0x100000, s0  }
0x1dc: {  	[sflag:s0] =	ssyncadd.tile.s32 @!p0 $0x1;
	_ =	shalt  }
.Lfunc_end2:
_tile_overlayer_lowered:
.L_overlay_start_2:
0x1dd: {  	(tag) =	ssettag $0x2  }
0x1de: {  	s0 =	rddreg [dreg:$0x0];
	s2 =	stileid.u32  }
0x1df: {  	s1 =	rddreg [dreg:$0x1];
	p0 =	sne.s32 s2, $0x0  }
0x1e0: {  	s3 =	rddreg [dreg:$0x2];
	[bflag:$0x3] =	sbarrier.arrive $0xFFFF;
	s2 =	simm.s32 @!p0 $0x1C05  }
0x1e1: {  	[timem:s3], [sflag:s2] =	dma.local @!p0 [hbm:s0], s1  }
0x1e2: {  	s0 =	simm.s32 @!p0 $0x5  }
0x1e3: {  	_ =	swait.ge @!p0 [sflag:s0], s1  }
0x1e4: {  	s1 =	ssub.s32 @!p0 $0x0, s1;
	[sflag:s0] =	ssyncset.done @!p0 $0x0  }
0x1e5: {  	[sflag:s0] =	ssyncadd.s32 @!p0 s1  }
0x1e6: {  	[bflag:$0x3] =	sbarrier.arrive $0xFFFF  }
0x1e7: {  	_ =	shalt  }

</sc_bundles>
